<compile_context>
chip_gen: v7x
topology: tpu7x:2x2x1
jax: 0.10.2.dev20260603
libtpu: 0.0.44.dev20260713+nightly
codegen_flags: <defaults>
</compile_context>

<pallas_src>
import functools

import jax
import jax.numpy as jnp
from jax import lax
from jax.experimental import pallas as pl
from jax.experimental.pallas import tpu as pltpu
from jax.experimental.pallas import tpu_sc as plsc

NC = 2
NS = 16
KD = 80
BN = 1000
V_TH = 1.0
T = 4


def _deg_body(dst_hbm, zeros_hbm, degp_hbm, idx_v, ones_v, deg_sh, sem):
    nchunk = dst_hbm.shape[2]
    c = lax.axis_index("c")
    s = lax.axis_index("s")

    @pl.when(s == 0)
    def _():
        pltpu.sync_copy(zeros_hbm, deg_sh)

    for i in range(KD // 16):
        ones_v[pl.ds(i * 16, 16)] = jnp.ones((16,), jnp.float32)
    pltpu.sync_copy(dst_hbm.at[c, s], idx_v)
    plsc.subcore_barrier()

    def body(j, carry):
        pltpu.sync_copy(ones_v, deg_sh.at[idx_v.at[j]], add=True)
        return carry

    lax.fori_loop(0, nchunk, body, 0)
    plsc.subcore_barrier()

    @pl.when(s == 0)
    def _():
        pltpu.sync_copy(deg_sh, degp_hbm.at[c])


def _deg_partials(dst_r, zeros_n, n):
    nchunk = dst_r.shape[2]
    kern = pl.kernel(
        _deg_body,
        out_type=jax.ShapeDtypeStruct((NC, n), jnp.float32),
        mesh=plsc.VectorSubcoreMesh(core_axis_name="c", subcore_axis_name="s"),
        scratch_types=[
            pltpu.VMEM((nchunk, KD), jnp.int32),
            pltpu.VMEM((KD,), jnp.float32),
            pltpu.MemorySpace.VMEM_SHARED((n,), jnp.float32),
            pltpu.SemaphoreType.DMA,
        ],
    )
    return kern(dst_r, zeros_n)


def _spmem_slices(s, n, src_at, dst_at):
    rpt8 = (n // NS // 8) * 8
    tail = n - NS * rpt8
    pltpu.sync_copy(src_at(s * rpt8, rpt8), dst_at(s * rpt8, rpt8))
    if tail:
        @pl.when(s == 0)
        def _():
            pltpu.sync_copy(src_at(NS * rpt8, tail), dst_at(NS * rpt8, tail))


UNROLL = 10


def _scatter_body(g_hbm, src_hbm, dst_hbm, zeros_hbm, accp_hbm,
                  sidx_v, didx_v, rows_v, acc_sh, sems_r):
    nch = dst_hbm.shape[2]
    ks = dst_hbm.shape[3]
    np_ = zeros_hbm.shape[0]
    n = accp_hbm.shape[1]
    c = lax.axis_index("c")
    s = lax.axis_index("s")

    _spmem_slices(s, np_, lambda o, l: zeros_hbm.at[pl.ds(o, l)],
                  lambda o, l: acc_sh.at[pl.ds(o, l)])
    pltpu.sync_copy(src_hbm.at[c, s], sidx_v)
    plsc.subcore_barrier()

    pltpu.sync_copy(dst_hbm.at[c, s], didx_v)

    def body(j, carry):
        pltpu.async_copy(g_hbm.at[sidx_v.at[j]], rows_v, sems_r).wait()
        pltpu.sync_copy(rows_v, acc_sh.at[didx_v.at[j]], add=True)
        return carry

    lax.fori_loop(0, nch, body, 0)
    plsc.subcore_barrier()
    _spmem_slices(s, n, lambda o, l: acc_sh.at[pl.ds(o, l)],
                  lambda o, l: accp_hbm.at[c, pl.ds(o, l)])


def _scatter_partials(g, src_chunks, dst_chunks, zeros_np, n, d):
    np_ = zeros_np.shape[0]
    nch = dst_chunks.shape[2]
    ks = dst_chunks.shape[3]
    kern = pl.kernel(
        _scatter_body,
        out_type=jax.ShapeDtypeStruct((NC, n, d), jnp.float32),
        mesh=plsc.VectorSubcoreMesh(core_axis_name="c", subcore_axis_name="s"),
        scratch_types=[
            pltpu.VMEM((nch, ks), jnp.int32),
            pltpu.VMEM((nch, ks), jnp.int32),
            pltpu.VMEM((ks, d), jnp.float32),
            pltpu.MemorySpace.VMEM_SHARED((np_, d), jnp.float32),
            pltpu.SemaphoreType.DMA,
        ],
    )
    return kern(g, src_chunks, dst_chunks, zeros_np)


def _dinv_of(degp_blk):
    deg = degp_blk[:, 0:1] + degp_blk[:, 1:2] + 1.0
    return lax.rsqrt(jnp.maximum(deg, 1e-12))


def _mm_scale_body(x_ref, w_ref, degp_ref, g_ref):
    h = jnp.dot(x_ref[...], w_ref[...], preferred_element_type=jnp.float32)
    g_ref[...] = _dinv_of(degp_ref[...]) * h


def _mm_scale(x, w, degp_t):
    n, din = x.shape
    dout = w.shape[1]
    return pl.pallas_call(
        _mm_scale_body,
        grid=(n // BN,),
        in_specs=[
            pl.BlockSpec((BN, din), lambda i: (i, 0)),
            pl.BlockSpec((din, dout), lambda i: (0, 0)),
            pl.BlockSpec((BN, NC), lambda i: (i, 0)),
        ],
        out_specs=pl.BlockSpec((BN, dout), lambda i: (i, 0)),
        out_shape=jax.ShapeDtypeStruct((n, dout), jnp.float32),
    )(x, w, degp_t)


def _if_body(accp_ref, g_ref, degp_ref, b_ref, o_ref, z_ref):
    dinv = _dinv_of(degp_ref[...])
    g = g_ref[...]
    y = dinv * (accp_ref[0] + accp_ref[1] + g) + b_ref[...]
    z = jnp.zeros_like(y)
    for t in range(T):
        z = z + y
        o = (z >= V_TH).astype(jnp.float32)
        z = z * (1.0 - o)
        o_ref[t] = o
        z_ref[t] = z


def _if_dynamics(accp, g, degp_t, b2d):
    n, d = g.shape
    out_sds = jax.ShapeDtypeStruct((T, n, d), jnp.float32)
    return pl.pallas_call(
        _if_body,
        grid=(n // BN,),
        in_specs=[
            pl.BlockSpec((NC, BN, d), lambda i: (0, i, 0)),
            pl.BlockSpec((BN, d), lambda i: (i, 0)),
            pl.BlockSpec((BN, NC), lambda i: (i, 0)),
            pl.BlockSpec((1, d), lambda i: (0, 0)),
        ],
        out_specs=[
            pl.BlockSpec((T, BN, d), lambda i: (0, i, 0)),
            pl.BlockSpec((T, BN, d), lambda i: (0, i, 0)),
        ],
        out_shape=[out_sds, out_sds],
    )(accp, g, degp_t, b2d)


def kernel(x, edge_index, W, b):
    n, din = x.shape
    dout = W.shape[1]
    e = edge_index.shape[1]
    ept = e // (NC * NS)
    nchunk_d = ept // KD
    ks = 128
    nch = -(-ept // ks)
    np_ = n + 8

    src_t = edge_index[0].reshape(NC, NS, ept)
    dst_t = edge_index[1].reshape(NC, NS, ept)
    src_chunks = jnp.concatenate(
        [src_t, jnp.zeros((NC, NS, nch * ks - ept), jnp.int32)],
        axis=2).reshape(NC, NS, nch, ks)
    dst_chunks = jnp.concatenate(
        [dst_t, jnp.full((NC, NS, nch * ks - ept), n, jnp.int32)],
        axis=2).reshape(NC, NS, nch, ks)

    dst_rd = edge_index[1].reshape(NC, NS, nchunk_d, KD)
    zeros_n = jnp.zeros((n,), jnp.float32)
    zeros_np = jnp.zeros((np_, dout), jnp.float32)

    degp = _deg_partials(dst_rd, zeros_n, n)
    degp_t = degp.T
    g = _mm_scale(x, W, degp_t)
    accp = _scatter_partials(g, src_chunks, dst_chunks, zeros_np, n, dout)
    o_seq, z_seq = _if_dynamics(accp, g, degp_t, b.reshape(1, dout))
    return (o_seq, z_seq)

# --- scband reference (transcript-rebuilt; emitter-appended) ---
"""Pipeline reference for scband-rsencoder-layer-26654567039543 (READ-ONLY COPY).

The authoritative reference and input builder live on the scoring server;
editing this copy changes nothing except your own understanding.
"""

import jax, jax.numpy as jnp
import numpy as np

N = 10000
E = 320000
IN_DIM = 128
OUT_DIM = 128
T = 4
V_TH = 1.0


def setup_inputs(seed: int = 0) -> dict:
    key = jax.random.key(seed)
    k1, k2, k3 = jax.random.split(key, 3)
    x = jax.random.normal(k1, (N, IN_DIM), dtype=jnp.float32)
    edge_index = jax.random.randint(k2, (2, E), 0, N, dtype=jnp.int32)
    W = jax.random.normal(k3, (IN_DIM, OUT_DIM), dtype=jnp.float32) * (1.0 / np.sqrt(IN_DIM))
    b = jnp.zeros((OUT_DIM,), dtype=jnp.float32)
    return {"x": x, "edge_index": edge_index, "W": W, "b": b}


def gcn_conv(x, edge_index, W, b):
    # GCNConv with self-loops and symmetric normalization D^{-1/2} A D^{-1/2}
    n = x.shape[0]
    src = edge_index[0]
    dst = edge_index[1]
    loops = jnp.arange(n, dtype=src.dtype)
    src = jnp.concatenate([src, loops])
    dst = jnp.concatenate([dst, loops])
    deg = jnp.zeros((n,), x.dtype).at[dst].add(1.0)
    dinv = jax.lax.rsqrt(jnp.maximum(deg, 1e-12))
    h = x @ W
    norm = (dinv[src] * dinv[dst])[:, None]
    msg = jnp.take(h, src, axis=0) * norm
    out = jnp.zeros((n, h.shape[1]), x.dtype).at[dst].add(msg)
    return out + b


def reference(x, edge_index, W, b):
    # fc + dropout(p=0.0 -> identity)
    h = gcn_conv(x, edge_index, W, b)
    # manifold.origin -> zeros for Euclidean manifold
    z0 = jnp.zeros_like(h)
    # x_seq = x.unsqueeze(0).repeat(T, 1, 1)
    x_seq = jnp.broadcast_to(h[None], (T,) + h.shape)
    # RiemannianIFNode: integrate (expmap charge = add for Euclidean),
    # fire when membrane state crosses v_threshold, hard reset to origin.
    def step(z, xt):
        z = z + xt
        o = (z >= V_TH).astype(z.dtype)
        z = z * (1.0 - o)
        return z, (o, z)
    _, (o_seq, z_seq) = jax.lax.scan(step, z0, x_seq)
    return (o_seq, z_seq)

if __name__ == "__main__":
    import jax
    _d = setup_inputs()
    print(jax.jit(kernel)(*tuple(_d.values())))

</pallas_src>

<mosaic_0001>
#map = affine_map<(d0, d1) -> (0, 0, 0, 0)>
#map1 = affine_map<(d0, d1) -> (0)>
#map2 = affine_map<(d0, d1) -> (0, 0)>
module attributes {stable_mosaic.version = 14 : i64} {
  func.func @_deg_body(%arg0: i32, %arg1: i32, %arg2: memref<2x16x125x80xi32, #tpu.memory_space<hbm>>, %arg3: memref<10000xf32, #tpu.memory_space<hbm>>, %arg4: memref<2x10000xf32, #tpu.memory_space<hbm>>, %arg5: memref<125x80xi32, #tpu.memory_space<vmem>>, %arg6: memref<80xf32, #tpu.memory_space<vmem>>, %arg7: memref<10000xf32, #tpu.memory_space<vmem_shared>>, %arg8: memref<!tpu.dma_semaphore, #tpu.memory_space<semaphore_mem>>) attributes {dimension_semantics = [#tpu.dimension_semantics<core_parallel>, #tpu.dimension_semantics<subcore_parallel>], iteration_bounds = array<i64: 2, 16>, scalar_prefetch = 0 : i64, scratch_operands = 4 : i64, tpu.core_type = #tpu.core_type<sc_vector_subcore>, window_params = [{transform_indices = #map}, {transform_indices = #map1}, {transform_indices = #map2}]} {
    %eq3A = arith.constant 0 : i32
    %eq3A_0 = arith.cmpi eq, %arg1, %eq3A : i32
    %convert_element_type3A = arith.extui %eq3A_0 : i1 to i32
    %cond3A = arith.constant 0 : i32
    %cond3A_1 = arith.cmpi ne, %convert_element_type3A, %cond3A : i32
    scf.if %cond3A_1 {
      "tpu.region"() ({
        %run_scoped3A = tpu.sem_alloc : memref<!tpu.dma_semaphore, #tpu.memory_space<semaphore_mem>>
        tpu.enqueue_dma source(%arg3 : memref<10000xf32, #tpu.memory_space<hbm>>) target(%arg7 : memref<10000xf32, #tpu.memory_space<vmem_shared>>) target_semaphore(%run_scoped3A : memref<!tpu.dma_semaphore, #tpu.memory_space<semaphore_mem>>)
        tpu.wait_dma2 semaphore(%run_scoped3A : memref<!tpu.dma_semaphore, #tpu.memory_space<semaphore_mem>>) src(%arg3 : memref<10000xf32, #tpu.memory_space<hbm>>) dst(%arg7 : memref<10000xf32, #tpu.memory_space<vmem_shared>>)
        tpu.yield
      }) : () -> ()
    } else {
    }
    %broadcast_in_dim3A = arith.constant 1.000000e+00 : f32
    %broadcast_in_dim3A_2 = vector.broadcast %broadcast_in_dim3A : f32 to vector<16xf32>
    %swap3A = arith.constant 0 : index
    %swap3A_3 = tpu.vector_load %arg6[%swap3A] {strides = array<i32>} : memref<80xf32, #tpu.memory_space<vmem>>, vector<16xf32>,
    %swap3A_4 = vector.shape_cast %swap3A_3 : vector<16xf32> to vector<16xf32>
    %swap3A_5 = vector.shape_cast %broadcast_in_dim3A_2 : vector<16xf32> to vector<16xf32>
    tpu.vector_store %arg6[%swap3A], %swap3A_5 {strides = array<i32>} : memref<80xf32, #tpu.memory_space<vmem>>, vector<16xf32>,
    %broadcast_in_dim3A_6 = arith.constant 1.000000e+00 : f32
    %broadcast_in_dim3A_7 = vector.broadcast %broadcast_in_dim3A_6 : f32 to vector<16xf32>
    %swap3A_8 = arith.constant 16 : index
    %swap3A_9 = tpu.vector_load %arg6[%swap3A_8] {strides = array<i32>} : memref<80xf32, #tpu.memory_space<vmem>>, vector<16xf32>,
    %swap3A_10 = vector.shape_cast %swap3A_9 : vector<16xf32> to vector<16xf32>
    %swap3A_11 = vector.shape_cast %broadcast_in_dim3A_7 : vector<16xf32> to vector<16xf32>
    tpu.vector_store %arg6[%swap3A_8], %swap3A_11 {strides = array<i32>} : memref<80xf32, #tpu.memory_space<vmem>>, vector<16xf32>,
    %broadcast_in_dim3A_12 = arith.constant 1.000000e+00 : f32
    %broadcast_in_dim3A_13 = vector.broadcast %broadcast_in_dim3A_12 : f32 to vector<16xf32>
    %swap3A_14 = arith.constant 32 : index
    %swap3A_15 = tpu.vector_load %arg6[%swap3A_14] {strides = array<i32>} : memref<80xf32, #tpu.memory_space<vmem>>, vector<16xf32>,
    %swap3A_16 = vector.shape_cast %swap3A_15 : vector<16xf32> to vector<16xf32>
    %swap3A_17 = vector.shape_cast %broadcast_in_dim3A_13 : vector<16xf32> to vector<16xf32>
    tpu.vector_store %arg6[%swap3A_14], %swap3A_17 {strides = array<i32>} : memref<80xf32, #tpu.memory_space<vmem>>, vector<16xf32>,
    %broadcast_in_dim3A_18 = arith.constant 1.000000e+00 : f32
    %broadcast_in_dim3A_19 = vector.broadcast %broadcast_in_dim3A_18 : f32 to vector<16xf32>
    %swap3A_20 = arith.constant 48 : index
    %swap3A_21 = tpu.vector_load %arg6[%swap3A_20] {strides = array<i32>} : memref<80xf32, #tpu.memory_space<vmem>>, vector<16xf32>,
    %swap3A_22 = vector.shape_cast %swap3A_21 : vector<16xf32> to vector<16xf32>
    %swap3A_23 = vector.shape_cast %broadcast_in_dim3A_19 : vector<16xf32> to vector<16xf32>
    tpu.vector_store %arg6[%swap3A_20], %swap3A_23 {strides = array<i32>} : memref<80xf32, #tpu.memory_space<vmem>>, vector<16xf32>,
    %broadcast_in_dim3A_24 = arith.constant 1.000000e+00 : f32
    %broadcast_in_dim3A_25 = vector.broadcast %broadcast_in_dim3A_24 : f32 to vector<16xf32>
    %swap3A_26 = arith.constant 64 : index
    %swap3A_27 = tpu.vector_load %arg6[%swap3A_26] {strides = array<i32>} : memref<80xf32, #tpu.memory_space<vmem>>, vector<16xf32>,
    %swap3A_28 = vector.shape_cast %swap3A_27 : vector<16xf32> to vector<16xf32>
    %swap3A_29 = vector.shape_cast %broadcast_in_dim3A_25 : vector<16xf32> to vector<16xf32>
    tpu.vector_store %arg6[%swap3A_26], %swap3A_29 {strides = array<i32>} : memref<80xf32, #tpu.memory_space<vmem>>, vector<16xf32>,
    "tpu.region"() ({
      %run_scoped3A = tpu.sem_alloc : memref<!tpu.dma_semaphore, #tpu.memory_space<semaphore_mem>>
      %dma_start3A = arith.constant 0 : i32
      %dma_start3A_41 = arith.constant 0 : i32
      %dma_start3A_42 = tpu.memref_slice %arg2[%arg0, %arg1, %dma_start3A, %dma_start3A_41] : memref<2x16x125x80xi32, #tpu.memory_space<hbm>> -> memref<1x1x125x80xi32, #tpu.memory_space<hbm>>
      %dma_start3A_43 = tpu.memref_squeeze %dma_start3A_42 : memref<1x1x125x80xi32, #tpu.memory_space<hbm>> -> memref<125x80xi32, #tpu.memory_space<hbm>>
      %dma_start3A_44 = arith.constant 0 : i32
      %dma_start3A_45 = arith.constant 0 : i32
      %dma_start3A_46 = tpu.memref_slice %arg2[%arg0, %arg1, %dma_start3A_44, %dma_start3A_45] : memref<2x16x125x80xi32, #tpu.memory_space<hbm>> -> memref<1x1x125x80xi32, #tpu.memory_space<hbm>>
      %dma_start3A_47 = tpu.memref_squeeze %dma_start3A_46 : memref<1x1x125x80xi32, #tpu.memory_space<hbm>> -> memref<125x80xi32, #tpu.memory_space<hbm>>
      tpu.enqueue_dma source(%dma_start3A_47 : memref<125x80xi32, #tpu.memory_space<hbm>>) target(%arg5 : memref<125x80xi32, #tpu.memory_space<vmem>>) target_semaphore(%run_scoped3A : memref<!tpu.dma_semaphore, #tpu.memory_space<semaphore_mem>>)
      %dma_wait3A = arith.constant 0 : i32
      %dma_wait3A_48 = arith.constant 0 : i32
      %dma_wait3A_49 = tpu.memref_slice %arg2[%arg0, %arg1, %dma_wait3A, %dma_wait3A_48] : memref<2x16x125x80xi32, #tpu.memory_space<hbm>> -> memref<1x1x125x80xi32, #tpu.memory_space<hbm>>
      %dma_wait3A_50 = tpu.memref_squeeze %dma_wait3A_49 : memref<1x1x125x80xi32, #tpu.memory_space<hbm>> -> memref<125x80xi32, #tpu.memory_space<hbm>>
      %dma_wait3A_51 = arith.constant 0 : i32
      %dma_wait3A_52 = arith.constant 0 : i32
      %dma_wait3A_53 = tpu.memref_slice %arg2[%arg0, %arg1, %dma_wait3A_51, %dma_wait3A_52] : memref<2x16x125x80xi32, #tpu.memory_space<hbm>> -> memref<1x1x125x80xi32, #tpu.memory_space<hbm>>
      %dma_wait3A_54 = tpu.memref_squeeze %dma_wait3A_53 : memref<1x1x125x80xi32, #tpu.memory_space<hbm>> -> memref<125x80xi32, #tpu.memory_space<hbm>>
      tpu.wait_dma2 semaphore(%run_scoped3A : memref<!tpu.dma_semaphore, #tpu.memory_space<semaphore_mem>>) src(%dma_wait3A_54 : memref<125x80xi32, #tpu.memory_space<hbm>>) dst(%arg5 : memref<125x80xi32, #tpu.memory_space<vmem>>)
      tpu.yield
    }) : () -> ()
    %barrier3A = arith.constant 0 : index
    tpu.barrier barrier_id(%barrier3A)
    %scan3A = arith.constant 0 : i32
    %scan3A_30 = arith.constant 0 : i32
    %scan3A_31 = arith.constant 125 : i32
    %scan3A_32 = arith.addi %scan3A_30, %scan3A_31 : i32
    %scan3A_33 = arith.constant 1 : i32
    scf.for %scan3A_41 = %scan3A_30 to %scan3A_32 step %scan3A_33  : i32 {
      "tpu.region"() ({
        %run_scoped3A = tpu.sem_alloc : memref<!tpu.dma_semaphore, #tpu.memory_space<semaphore_mem>>
        %dma_start3A = arith.constant 0 : i32
        %dma_start3A_42 = tpu.memref_slice %arg5[%scan3A_41, %dma_start3A] : memref<125x80xi32, #tpu.memory_space<vmem>> -> memref<1x80xi32, #tpu.memory_space<vmem>>
        %dma_start3A_43 = tpu.memref_squeeze %dma_start3A_42 : memref<1x80xi32, #tpu.memory_space<vmem>> -> memref<80xi32, #tpu.memory_space<vmem>>
        %dma_start3A_44 = arith.constant 0 : i32
        %dma_start3A_45 = tpu.memref_slice %arg7[%dma_start3A_44] : memref<10000xf32, #tpu.memory_space<vmem_shared>> -> memref<10000xf32, #tpu.memory_space<vmem_shared>>
        tpu.enqueue_indirect_dma source(%arg6 : memref<80xf32, #tpu.memory_space<vmem>>) target(%dma_start3A_45 : memref<10000xf32, #tpu.memory_space<vmem_shared>>) offsets(%dma_start3A_43 : memref<80xi32, #tpu.memory_space<vmem>>) semaphore(%run_scoped3A : memref<!tpu.dma_semaphore, #tpu.memory_space<semaphore_mem>>) {add = true}
        %dma_wait3A = arith.constant 0 : i32
        %dma_wait3A_46 = tpu.memref_slice %arg5[%scan3A_41, %dma_wait3A] : memref<125x80xi32, #tpu.memory_space<vmem>> -> memref<1x80xi32, #tpu.memory_space<vmem>>
        %dma_wait3A_47 = tpu.memref_squeeze %dma_wait3A_46 : memref<1x80xi32, #tpu.memory_space<vmem>> -> memref<80xi32, #tpu.memory_space<vmem>>
        %dma_wait3A_48 = arith.constant 0 : i32
        %dma_wait3A_49 = tpu.memref_slice %arg7[%dma_wait3A_48] : memref<10000xf32, #tpu.memory_space<vmem_shared>> -> memref<10000xf32, #tpu.memory_space<vmem_shared>>
        tpu.wait_indirect_dma semaphore(%run_scoped3A : memref<!tpu.dma_semaphore, #tpu.memory_space<semaphore_mem>>) src(%arg6 : memref<80xf32, #tpu.memory_space<vmem>>) dst(%dma_wait3A_49 : memref<10000xf32, #tpu.memory_space<vmem_shared>>)
        tpu.yield
      }) : () -> ()
    }
    %scan3A_34 = arith.constant 125 : i32
    %barrier3A_35 = arith.constant 0 : index
    tpu.barrier barrier_id(%barrier3A_35)
    %eq3A_36 = arith.constant 0 : i32
    %eq3A_37 = arith.cmpi eq, %arg1, %eq3A_36 : i32
    %convert_element_type3A_38 = arith.extui %eq3A_37 : i1 to i32
    %cond3A_39 = arith.constant 0 : i32
    %cond3A_40 = arith.cmpi ne, %convert_element_type3A_38, %cond3A_39 : i32
    scf.if %cond3A_40 {
      "tpu.region"() ({
        %run_scoped3A = tpu.sem_alloc : memref<!tpu.dma_semaphore, #tpu.memory_space<semaphore_mem>>
        %dma_start3A = arith.constant 0 : i32
        %dma_start3A_41 = tpu.memref_slice %arg4[%arg0, %dma_start3A] : memref<2x10000xf32, #tpu.memory_space<hbm>> -> memref<1x10000xf32, #tpu.memory_space<hbm>>
        %dma_start3A_42 = tpu.memref_squeeze %dma_start3A_41 : memref<1x10000xf32, #tpu.memory_space<hbm>> -> memref<10000xf32, #tpu.memory_space<hbm>>
        tpu.enqueue_dma source(%arg7 : memref<10000xf32, #tpu.memory_space<vmem_shared>>) target(%dma_start3A_42 : memref<10000xf32, #tpu.memory_space<hbm>>) target_semaphore(%run_scoped3A : memref<!tpu.dma_semaphore, #tpu.memory_space<semaphore_mem>>)
        %dma_wait3A = arith.constant 0 : i32
        %dma_wait3A_43 = tpu.memref_slice %arg4[%arg0, %dma_wait3A] : memref<2x10000xf32, #tpu.memory_space<hbm>> -> memref<1x10000xf32, #tpu.memory_space<hbm>>
        %dma_wait3A_44 = tpu.memref_squeeze %dma_wait3A_43 : memref<1x10000xf32, #tpu.memory_space<hbm>> -> memref<10000xf32, #tpu.memory_space<hbm>>
        tpu.wait_dma2 semaphore(%run_scoped3A : memref<!tpu.dma_semaphore, #tpu.memory_space<semaphore_mem>>) src(%arg7 : memref<10000xf32, #tpu.memory_space<vmem_shared>>) dst(%dma_wait3A_44 : memref<10000xf32, #tpu.memory_space<hbm>>)
        tpu.yield
      }) : () -> ()
    } else {
    }
    return
  }
}

#map = affine_map<(d0, d1) -> (0, 0)>
#map1 = affine_map<(d0, d1) -> (0, 0, 0, 0)>
#map2 = affine_map<(d0, d1) -> (0, 0, 0)>
module attributes {stable_mosaic.version = 14 : i64} {
  func.func @_scatter_body(%arg0: i32, %arg1: i32, %arg2: memref<10000x128xf32, #tpu.memory_space<hbm>>, %arg3: memref<2x16x79x128xi32, #tpu.memory_space<hbm>>, %arg4: memref<2x16x79x128xi32, #tpu.memory_space<hbm>>, %arg5: memref<10008x128xf32, #tpu.memory_space<hbm>>, %arg6: memref<2x10000x128xf32, #tpu.memory_space<hbm>>, %arg7: memref<79x128xi32, #tpu.memory_space<vmem>>, %arg8: memref<79x128xi32, #tpu.memory_space<vmem>>, %arg9: memref<128x128xf32, #tpu.memory_space<vmem>>, %arg10: memref<10008x128xf32, #tpu.memory_space<vmem_shared>>, %arg11: memref<!tpu.dma_semaphore, #tpu.memory_space<semaphore_mem>>) attributes {dimension_semantics = [#tpu.dimension_semantics<core_parallel>, #tpu.dimension_semantics<subcore_parallel>], iteration_bounds = array<i64: 2, 16>, scalar_prefetch = 0 : i64, scratch_operands = 5 : i64, tpu.core_type = #tpu.core_type<sc_vector_subcore>, window_params = [{transform_indices = #map}, {transform_indices = #map1}, {transform_indices = #map1}, {transform_indices = #map}, {transform_indices = #map2}]} {
    %mul3A = arith.constant 624 : i32
    %mul3A_0 = arith.muli %arg1, %mul3A : i32
    %mul3A_1 = arith.constant 624 : i32
    %mul3A_2 = arith.muli %arg1, %mul3A_1 : i32
    "tpu.region"() ({
      %run_scoped3A = tpu.sem_alloc : memref<!tpu.dma_semaphore, #tpu.memory_space<semaphore_mem>>
      %dma_start3A = arith.constant 0 : i32
      %dma_start3A_20 = tpu.memref_slice %arg10[%mul3A_2, %dma_start3A] : memref<10008x128xf32, #tpu.memory_space<vmem_shared>> -> memref<624x128xf32, #tpu.memory_space<vmem_shared>>
      %dma_start3A_21 = arith.constant 0 : i32
      %dma_start3A_22 = tpu.memref_slice %arg5[%mul3A_0, %dma_start3A_21] : memref<10008x128xf32, #tpu.memory_space<hbm>> -> memref<624x128xf32, #tpu.memory_space<hbm>>
      tpu.enqueue_dma source(%dma_start3A_22 : memref<624x128xf32, #tpu.memory_space<hbm>>) target(%dma_start3A_20 : memref<624x128xf32, #tpu.memory_space<vmem_shared>>) target_semaphore(%run_scoped3A : memref<!tpu.dma_semaphore, #tpu.memory_space<semaphore_mem>>)
      %dma_wait3A = arith.constant 0 : i32
      %dma_wait3A_23 = tpu.memref_slice %arg10[%mul3A_2, %dma_wait3A] : memref<10008x128xf32, #tpu.memory_space<vmem_shared>> -> memref<624x128xf32, #tpu.memory_space<vmem_shared>>
      %dma_wait3A_24 = arith.constant 0 : i32
      %dma_wait3A_25 = tpu.memref_slice %arg5[%mul3A_0, %dma_wait3A_24] : memref<10008x128xf32, #tpu.memory_space<hbm>> -> memref<624x128xf32, #tpu.memory_space<hbm>>
      tpu.wait_dma2 semaphore(%run_scoped3A : memref<!tpu.dma_semaphore, #tpu.memory_space<semaphore_mem>>) src(%dma_wait3A_25 : memref<624x128xf32, #tpu.memory_space<hbm>>) dst(%dma_wait3A_23 : memref<624x128xf32, #tpu.memory_space<vmem_shared>>)
      tpu.yield
    }) : () -> ()
    %eq3A = arith.constant 0 : i32
    %eq3A_3 = arith.cmpi eq, %arg1, %eq3A : i32
    %convert_element_type3A = arith.extui %eq3A_3 : i1 to i32
    %cond3A = arith.constant 0 : i32
    %cond3A_4 = arith.cmpi ne, %convert_element_type3A, %cond3A : i32
    scf.if %cond3A_4 {
      "tpu.region"() ({
        %run_scoped3A = tpu.sem_alloc : memref<!tpu.dma_semaphore, #tpu.memory_space<semaphore_mem>>
        %dma_start3A = arith.constant 9984 : i32
        %dma_start3A_20 = arith.constant 0 : i32
        %dma_start3A_21 = tpu.memref_slice %arg10[%dma_start3A, %dma_start3A_20] : memref<10008x128xf32, #tpu.memory_space<vmem_shared>> -> memref<24x128xf32, #tpu.memory_space<vmem_shared>>
        %dma_start3A_22 = arith.constant 9984 : i32
        %dma_start3A_23 = arith.constant 0 : i32
        %dma_start3A_24 = tpu.memref_slice %arg5[%dma_start3A_22, %dma_start3A_23] : memref<10008x128xf32, #tpu.memory_space<hbm>> -> memref<24x128xf32, #tpu.memory_space<hbm>>
        tpu.enqueue_dma source(%dma_start3A_24 : memref<24x128xf32, #tpu.memory_space<hbm>>) target(%dma_start3A_21 : memref<24x128xf32, #tpu.memory_space<vmem_shared>>) target_semaphore(%run_scoped3A : memref<!tpu.dma_semaphore, #tpu.memory_space<semaphore_mem>>)
        %dma_wait3A = arith.constant 9984 : i32
        %dma_wait3A_25 = arith.constant 0 : i32
        %dma_wait3A_26 = tpu.memref_slice %arg10[%dma_wait3A, %dma_wait3A_25] : memref<10008x128xf32, #tpu.memory_space<vmem_shared>> -> memref<24x128xf32, #tpu.memory_space<vmem_shared>>
        %dma_wait3A_27 = arith.constant 9984 : i32
        %dma_wait3A_28 = arith.constant 0 : i32
        %dma_wait3A_29 = tpu.memref_slice %arg5[%dma_wait3A_27, %dma_wait3A_28] : memref<10008x128xf32, #tpu.memory_space<hbm>> -> memref<24x128xf32, #tpu.memory_space<hbm>>
        tpu.wait_dma2 semaphore(%run_scoped3A : memref<!tpu.dma_semaphore, #tpu.memory_space<semaphore_mem>>) src(%dma_wait3A_29 : memref<24x128xf32, #tpu.memory_space<hbm>>) dst(%dma_wait3A_26 : memref<24x128xf32, #tpu.memory_space<vmem_shared>>)
        tpu.yield
      }) : () -> ()
    } else {
    }
    "tpu.region"() ({
      %run_scoped3A = tpu.sem_alloc : memref<!tpu.dma_semaphore, #tpu.memory_space<semaphore_mem>>
      %dma_start3A = arith.constant 0 : i32
      %dma_start3A_20 = arith.constant 0 : i32
      %dma_start3A_21 = tpu.memref_slice %arg3[%arg0, %arg1, %dma_start3A, %dma_start3A_20] : memref<2x16x79x128xi32, #tpu.memory_space<hbm>> -> memref<1x1x79x128xi32, #tpu.memory_space<hbm>>
      %dma_start3A_22 = tpu.memref_squeeze %dma_start3A_21 : memref<1x1x79x128xi32, #tpu.memory_space<hbm>> -> memref<79x128xi32, #tpu.memory_space<hbm>>
      %dma_start3A_23 = arith.constant 0 : i32
      %dma_start3A_24 = arith.constant 0 : i32
      %dma_start3A_25 = tpu.memref_slice %arg3[%arg0, %arg1, %dma_start3A_23, %dma_start3A_24] : memref<2x16x79x128xi32, #tpu.memory_space<hbm>> -> memref<1x1x79x128xi32, #tpu.memory_space<hbm>>
      %dma_start3A_26 = tpu.memref_squeeze %dma_start3A_25 : memref<1x1x79x128xi32, #tpu.memory_space<hbm>> -> memref<79x128xi32, #tpu.memory_space<hbm>>
      tpu.enqueue_dma source(%dma_start3A_26 : memref<79x128xi32, #tpu.memory_space<hbm>>) target(%arg7 : memref<79x128xi32, #tpu.memory_space<vmem>>) target_semaphore(%run_scoped3A : memref<!tpu.dma_semaphore, #tpu.memory_space<semaphore_mem>>)
      %dma_wait3A = arith.constant 0 : i32
      %dma_wait3A_27 = arith.constant 0 : i32
      %dma_wait3A_28 = tpu.memref_slice %arg3[%arg0, %arg1, %dma_wait3A, %dma_wait3A_27] : memref<2x16x79x128xi32, #tpu.memory_space<hbm>> -> memref<1x1x79x128xi32, #tpu.memory_space<hbm>>
      %dma_wait3A_29 = tpu.memref_squeeze %dma_wait3A_28 : memref<1x1x79x128xi32, #tpu.memory_space<hbm>> -> memref<79x128xi32, #tpu.memory_space<hbm>>
      %dma_wait3A_30 = arith.constant 0 : i32
      %dma_wait3A_31 = arith.constant 0 : i32
      %dma_wait3A_32 = tpu.memref_slice %arg3[%arg0, %arg1, %dma_wait3A_30, %dma_wait3A_31] : memref<2x16x79x128xi32, #tpu.memory_space<hbm>> -> memref<1x1x79x128xi32, #tpu.memory_space<hbm>>
      %dma_wait3A_33 = tpu.memref_squeeze %dma_wait3A_32 : memref<1x1x79x128xi32, #tpu.memory_space<hbm>> -> memref<79x128xi32, #tpu.memory_space<hbm>>
      tpu.wait_dma2 semaphore(%run_scoped3A : memref<!tpu.dma_semaphore, #tpu.memory_space<semaphore_mem>>) src(%dma_wait3A_33 : memref<79x128xi32, #tpu.memory_space<hbm>>) dst(%arg7 : memref<79x128xi32, #tpu.memory_space<vmem>>)
      tpu.yield
    }) : () -> ()
    %barrier3A = arith.constant 0 : index
    tpu.barrier barrier_id(%barrier3A)
    "tpu.region"() ({
      %run_scoped3A = tpu.sem_alloc : memref<!tpu.dma_semaphore, #tpu.memory_space<semaphore_mem>>
      %dma_start3A = arith.constant 0 : i32
      %dma_start3A_20 = arith.constant 0 : i32
      %dma_start3A_21 = tpu.memref_slice %arg4[%arg0, %arg1, %dma_start3A, %dma_start3A_20] : memref<2x16x79x128xi32, #tpu.memory_space<hbm>> -> memref<1x1x79x128xi32, #tpu.memory_space<hbm>>
      %dma_start3A_22 = tpu.memref_squeeze %dma_start3A_21 : memref<1x1x79x128xi32, #tpu.memory_space<hbm>> -> memref<79x128xi32, #tpu.memory_space<hbm>>
      %dma_start3A_23 = arith.constant 0 : i32
      %dma_start3A_24 = arith.constant 0 : i32
      %dma_start3A_25 = tpu.memref_slice %arg4[%arg0, %arg1, %dma_start3A_23, %dma_start3A_24] : memref<2x16x79x128xi32, #tpu.memory_space<hbm>> -> memref<1x1x79x128xi32, #tpu.memory_space<hbm>>
      %dma_start3A_26 = tpu.memref_squeeze %dma_start3A_25 : memref<1x1x79x128xi32, #tpu.memory_space<hbm>> -> memref<79x128xi32, #tpu.memory_space<hbm>>
      tpu.enqueue_dma source(%dma_start3A_26 : memref<79x128xi32, #tpu.memory_space<hbm>>) target(%arg8 : memref<79x128xi32, #tpu.memory_space<vmem>>) target_semaphore(%run_scoped3A : memref<!tpu.dma_semaphore, #tpu.memory_space<semaphore_mem>>)
      %dma_wait3A = arith.constant 0 : i32
      %dma_wait3A_27 = arith.constant 0 : i32
      %dma_wait3A_28 = tpu.memref_slice %arg4[%arg0, %arg1, %dma_wait3A, %dma_wait3A_27] : memref<2x16x79x128xi32, #tpu.memory_space<hbm>> -> memref<1x1x79x128xi32, #tpu.memory_space<hbm>>
      %dma_wait3A_29 = tpu.memref_squeeze %dma_wait3A_28 : memref<1x1x79x128xi32, #tpu.memory_space<hbm>> -> memref<79x128xi32, #tpu.memory_space<hbm>>
      %dma_wait3A_30 = arith.constant 0 : i32
      %dma_wait3A_31 = arith.constant 0 : i32
      %dma_wait3A_32 = tpu.memref_slice %arg4[%arg0, %arg1, %dma_wait3A_30, %dma_wait3A_31] : memref<2x16x79x128xi32, #tpu.memory_space<hbm>> -> memref<1x1x79x128xi32, #tpu.memory_space<hbm>>
      %dma_wait3A_33 = tpu.memref_squeeze %dma_wait3A_32 : memref<1x1x79x128xi32, #tpu.memory_space<hbm>> -> memref<79x128xi32, #tpu.memory_space<hbm>>
      tpu.wait_dma2 semaphore(%run_scoped3A : memref<!tpu.dma_semaphore, #tpu.memory_space<semaphore_mem>>) src(%dma_wait3A_33 : memref<79x128xi32, #tpu.memory_space<hbm>>) dst(%arg8 : memref<79x128xi32, #tpu.memory_space<vmem>>)
      tpu.yield
    }) : () -> ()
    %scan3A = arith.constant 0 : i32
    %scan3A_5 = arith.constant 0 : i32
    %scan3A_6 = arith.constant 79 : i32
    %scan3A_7 = arith.addi %scan3A_5, %scan3A_6 : i32
    %scan3A_8 = arith.constant 1 : i32
    scf.for %scan3A_20 = %scan3A_5 to %scan3A_7 step %scan3A_8  : i32 {
      %dma_start3A = arith.constant 0 : i32
      %dma_start3A_21 = tpu.memref_slice %arg7[%scan3A_20, %dma_start3A] : memref<79x128xi32, #tpu.memory_space<vmem>> -> memref<1x128xi32, #tpu.memory_space<vmem>>
      %dma_start3A_22 = tpu.memref_squeeze %dma_start3A_21 : memref<1x128xi32, #tpu.memory_space<vmem>> -> memref<128xi32, #tpu.memory_space<vmem>>
      %dma_start3A_23 = arith.constant 0 : i32
      %dma_start3A_24 = arith.constant 0 : i32
      %dma_start3A_25 = tpu.memref_slice %arg2[%dma_start3A_23, %dma_start3A_24] : memref<10000x128xf32, #tpu.memory_space<hbm>> -> memref<10000x128xf32, #tpu.memory_space<hbm>>
      tpu.enqueue_indirect_dma source(%dma_start3A_25 : memref<10000x128xf32, #tpu.memory_space<hbm>>) target(%arg9 : memref<128x128xf32, #tpu.memory_space<vmem>>) offsets(%dma_start3A_22 : memref<128xi32, #tpu.memory_space<vmem>>) semaphore(%arg11 : memref<!tpu.dma_semaphore, #tpu.memory_space<semaphore_mem>>)
      %dma_wait3A = arith.constant 0 : i32
      %dma_wait3A_26 = tpu.memref_slice %arg7[%scan3A_20, %dma_wait3A] : memref<79x128xi32, #tpu.memory_space<vmem>> -> memref<1x128xi32, #tpu.memory_space<vmem>>
      %dma_wait3A_27 = tpu.memref_squeeze %dma_wait3A_26 : memref<1x128xi32, #tpu.memory_space<vmem>> -> memref<128xi32, #tpu.memory_space<vmem>>
      %dma_wait3A_28 = arith.constant 0 : i32
      %dma_wait3A_29 = arith.constant 0 : i32
      %dma_wait3A_30 = tpu.memref_slice %arg2[%dma_wait3A_28, %dma_wait3A_29] : memref<10000x128xf32, #tpu.memory_space<hbm>> -> memref<10000x128xf32, #tpu.memory_space<hbm>>
      tpu.wait_indirect_dma semaphore(%arg11 : memref<!tpu.dma_semaphore, #tpu.memory_space<semaphore_mem>>) src(%dma_wait3A_30 : memref<10000x128xf32, #tpu.memory_space<hbm>>) dst(%arg9 : memref<128x128xf32, #tpu.memory_space<vmem>>)
      "tpu.region"() ({
        %run_scoped3A = tpu.sem_alloc : memref<!tpu.dma_semaphore, #tpu.memory_space<semaphore_mem>>
        %dma_start3A_31 = arith.constant 0 : i32
        %dma_start3A_32 = tpu.memref_slice %arg8[%scan3A_20, %dma_start3A_31] : memref<79x128xi32, #tpu.memory_space<vmem>> -> memref<1x128xi32, #tpu.memory_space<vmem>>
        %dma_start3A_33 = tpu.memref_squeeze %dma_start3A_32 : memref<1x128xi32, #tpu.memory_space<vmem>> -> memref<128xi32, #tpu.memory_space<vmem>>
        %dma_start3A_34 = arith.constant 0 : i32
        %dma_start3A_35 = arith.constant 0 : i32
        %dma_start3A_36 = tpu.memref_slice %arg10[%dma_start3A_34, %dma_start3A_35] : memref<10008x128xf32, #tpu.memory_space<vmem_shared>> -> memref<10008x128xf32, #tpu.memory_space<vmem_shared>>
        tpu.enqueue_indirect_dma source(%arg9 : memref<128x128xf32, #tpu.memory_space<vmem>>) target(%dma_start3A_36 : memref<10008x128xf32, #tpu.memory_space<vmem_shared>>) offsets(%dma_start3A_33 : memref<128xi32, #tpu.memory_space<vmem>>) semaphore(%run_scoped3A : memref<!tpu.dma_semaphore, #tpu.memory_space<semaphore_mem>>) {add = true}
        %dma_wait3A_37 = arith.constant 0 : i32
        %dma_wait3A_38 = tpu.memref_slice %arg8[%scan3A_20, %dma_wait3A_37] : memref<79x128xi32, #tpu.memory_space<vmem>> -> memref<1x128xi32, #tpu.memory_space<vmem>>
        %dma_wait3A_39 = tpu.memref_squeeze %dma_wait3A_38 : memref<1x128xi32, #tpu.memory_space<vmem>> -> memref<128xi32, #tpu.memory_space<vmem>>
        %dma_wait3A_40 = arith.constant 0 : i32
        %dma_wait3A_41 = arith.constant 0 : i32
        %dma_wait3A_42 = tpu.memref_slice %arg10[%dma_wait3A_40, %dma_wait3A_41] : memref<10008x128xf32, #tpu.memory_space<vmem_shared>> -> memref<10008x128xf32, #tpu.memory_space<vmem_shared>>
        tpu.wait_indirect_dma semaphore(%run_scoped3A : memref<!tpu.dma_semaphore, #tpu.memory_space<semaphore_mem>>) src(%arg9 : memref<128x128xf32, #tpu.memory_space<vmem>>) dst(%dma_wait3A_42 : memref<10008x128xf32, #tpu.memory_space<vmem_shared>>)
        tpu.yield
      }) : () -> ()
    }
    %scan3A_9 = arith.constant 79 : i32
    %barrier3A_10 = arith.constant 0 : index
    tpu.barrier barrier_id(%barrier3A_10)
    %mul3A_11 = arith.constant 624 : i32
    %mul3A_12 = arith.muli %arg1, %mul3A_11 : i32
    %mul3A_13 = arith.constant 624 : i32
    %mul3A_14 = arith.muli %arg1, %mul3A_13 : i32
    "tpu.region"() ({
      %run_scoped3A = tpu.sem_alloc : memref<!tpu.dma_semaphore, #tpu.memory_space<semaphore_mem>>
      %dma_start3A = arith.constant 0 : i32
      %dma_start3A_20 = tpu.memref_slice %arg6[%arg0, %mul3A_14, %dma_start3A] : memref<2x10000x128xf32, #tpu.memory_space<hbm>> -> memref<1x624x128xf32, #tpu.memory_space<hbm>>
      %dma_start3A_21 = tpu.memref_squeeze %dma_start3A_20 : memref<1x624x128xf32, #tpu.memory_space<hbm>> -> memref<624x128xf32, #tpu.memory_space<hbm>>
      %dma_start3A_22 = arith.constant 0 : i32
      %dma_start3A_23 = tpu.memref_slice %arg10[%mul3A_12, %dma_start3A_22] : memref<10008x128xf32, #tpu.memory_space<vmem_shared>> -> memref<624x128xf32, #tpu.memory_space<vmem_shared>>
      tpu.enqueue_dma source(%dma_start3A_23 : memref<624x128xf32, #tpu.memory_space<vmem_shared>>) target(%dma_start3A_21 : memref<624x128xf32, #tpu.memory_space<hbm>>) target_semaphore(%run_scoped3A : memref<!tpu.dma_semaphore, #tpu.memory_space<semaphore_mem>>)
      %dma_wait3A = arith.constant 0 : i32
      %dma_wait3A_24 = tpu.memref_slice %arg6[%arg0, %mul3A_14, %dma_wait3A] : memref<2x10000x128xf32, #tpu.memory_space<hbm>> -> memref<1x624x128xf32, #tpu.memory_space<hbm>>
      %dma_wait3A_25 = tpu.memref_squeeze %dma_wait3A_24 : memref<1x624x128xf32, #tpu.memory_space<hbm>> -> memref<624x128xf32, #tpu.memory_space<hbm>>
      %dma_wait3A_26 = arith.constant 0 : i32
      %dma_wait3A_27 = tpu.memref_slice %arg10[%mul3A_12, %dma_wait3A_26] : memref<10008x128xf32, #tpu.memory_space<vmem_shared>> -> memref<624x128xf32, #tpu.memory_space<vmem_shared>>
      tpu.wait_dma2 semaphore(%run_scoped3A : memref<!tpu.dma_semaphore, #tpu.memory_space<semaphore_mem>>) src(%dma_wait3A_27 : memref<624x128xf32, #tpu.memory_space<vmem_shared>>) dst(%dma_wait3A_25 : memref<624x128xf32, #tpu.memory_space<hbm>>)
      tpu.yield
    }) : () -> ()
    %eq3A_15 = arith.constant 0 : i32
    %eq3A_16 = arith.cmpi eq, %arg1, %eq3A_15 : i32
    %convert_element_type3A_17 = arith.extui %eq3A_16 : i1 to i32
    %cond3A_18 = arith.constant 0 : i32
    %cond3A_19 = arith.cmpi ne, %convert_element_type3A_17, %cond3A_18 : i32
    scf.if %cond3A_19 {
      "tpu.region"() ({
        %run_scoped3A = tpu.sem_alloc : memref<!tpu.dma_semaphore, #tpu.memory_space<semaphore_mem>>
        %dma_start3A = arith.constant 9984 : i32
        %dma_start3A_20 = arith.constant 0 : i32
        %dma_start3A_21 = tpu.memref_slice %arg6[%arg0, %dma_start3A, %dma_start3A_20] : memref<2x10000x128xf32, #tpu.memory_space<hbm>> -> memref<1x16x128xf32, #tpu.memory_space<hbm>>
        %dma_start3A_22 = tpu.memref_squeeze %dma_start3A_21 : memref<1x16x128xf32, #tpu.memory_space<hbm>> -> memref<16x128xf32, #tpu.memory_space<hbm>>
        %dma_start3A_23 = arith.constant 9984 : i32
        %dma_start3A_24 = arith.constant 0 : i32
        %dma_start3A_25 = tpu.memref_slice %arg10[%dma_start3A_23, %dma_start3A_24] : memref<10008x128xf32, #tpu.memory_space<vmem_shared>> -> memref<16x128xf32, #tpu.memory_space<vmem_shared>>
        tpu.enqueue_dma source(%dma_start3A_25 : memref<16x128xf32, #tpu.memory_space<vmem_shared>>) target(%dma_start3A_22 : memref<16x128xf32, #tpu.memory_space<hbm>>) target_semaphore(%run_scoped3A : memref<!tpu.dma_semaphore, #tpu.memory_space<semaphore_mem>>)
        %dma_wait3A = arith.constant 9984 : i32
        %dma_wait3A_26 = arith.constant 0 : i32
        %dma_wait3A_27 = tpu.memref_slice %arg6[%arg0, %dma_wait3A, %dma_wait3A_26] : memref<2x10000x128xf32, #tpu.memory_space<hbm>> -> memref<1x16x128xf32, #tpu.memory_space<hbm>>
        %dma_wait3A_28 = tpu.memref_squeeze %dma_wait3A_27 : memref<1x16x128xf32, #tpu.memory_space<hbm>> -> memref<16x128xf32, #tpu.memory_space<hbm>>
        %dma_wait3A_29 = arith.constant 9984 : i32
        %dma_wait3A_30 = arith.constant 0 : i32
        %dma_wait3A_31 = tpu.memref_slice %arg10[%dma_wait3A_29, %dma_wait3A_30] : memref<10008x128xf32, #tpu.memory_space<vmem_shared>> -> memref<16x128xf32, #tpu.memory_space<vmem_shared>>
        tpu.wait_dma2 semaphore(%run_scoped3A : memref<!tpu.dma_semaphore, #tpu.memory_space<semaphore_mem>>) src(%dma_wait3A_31 : memref<16x128xf32, #tpu.memory_space<vmem_shared>>) dst(%dma_wait3A_28 : memref<16x128xf32, #tpu.memory_space<hbm>>)
        tpu.yield
      }) : () -> ()
    } else {
    }
    return
  }
}

module attributes {stable_mosaic.version = 14 : i64} {
  func.func @_mm_scale_body(%arg0: i32, %arg1: memref<1000x128xf32, #tpu.memory_space<vmem>>, %arg2: memref<128x128xf32, #tpu.memory_space<vmem>>, %arg3: memref<1000x2xf32, #tpu.memory_space<vmem>>, %arg4: memref<1000x128xf32, #tpu.memory_space<vmem>>) attributes {dimension_semantics = [#tpu.dimension_semantics<arbitrary>], iteration_bounds = array<i64: 10>, scalar_prefetch = 0 : i64, scratch_operands = 0 : i64, tpu.core_type = #tpu.core_type<tc>, window_params = [{transform_indices = @transform_0, window_bounds = array<i64: 1000, 128>}, {pipeline_mode = #tpu.pipeline_mode<synchronous>, transform_indices = @transform_1, window_bounds = array<i64: 128, 128>}, {transform_indices = @transform_2, window_bounds = array<i64: 1000, 2>}, {transform_indices = @transform_3, window_bounds = array<i64: 1000, 128>}]} {
    %get3A = arith.constant 0 : index
    %get3A_0 = arith.constant 0 : index
    %get3A_1 = vector.load %arg1[%get3A, %get3A_0] : memref<1000x128xf32, #tpu.memory_space<vmem>>, vector<1000x128xf32>
    %get3A_2 = arith.constant 0 : index
    %get3A_3 = arith.constant 0 : index
    %get3A_4 = vector.load %arg2[%get3A_2, %get3A_3] : memref<128x128xf32, #tpu.memory_space<vmem>>, vector<128x128xf32>
    %dot_general3A = arith.constant dense<0.000000e+00> : vector<1000x128xf32>
    %dot_general3A_5 = tpu.matmul %get3A_1, %get3A_4, %dot_general3A {dimension_numbers = #tpu.dot_dimension_numbers<[1], [0], [0], [1], [0, 0, 1, 1], [], []>, transpose_lhs_hint = false} : vector<1000x128xf32>, vector<128x128xf32>, vector<1000x128xf32> -> vector<1000x128xf32>
    %get3A_6 = arith.constant 0 : index
    %get3A_7 = arith.constant 0 : index
    %get3A_8 = vector.load %arg3[%get3A_6, %get3A_7] : memref<1000x2xf32, #tpu.memory_space<vmem>>, vector<1000x2xf32>
    %slice3A = vector.extract_strided_slice %get3A_8 {offsets = [0, 0], sizes = [1000, 1], strides = [1, 1]} : vector<1000x2xf32> to vector<1000x1xf32>
    %slice3A_9 = vector.extract_strided_slice %get3A_8 {offsets = [0, 1], sizes = [1000, 1], strides = [1, 1]} : vector<1000x2xf32> to vector<1000x1xf32>
    %add3A = arith.addf %slice3A, %slice3A_9 : vector<1000x1xf32>
    %add3A_10 = arith.constant 1.000000e+00 : f32
    %add3A_11 = vector.broadcast %add3A_10 : f32 to vector<1000x1xf32>
    %add3A_12 = arith.addf %add3A, %add3A_11 : vector<1000x1xf32>
    %max3A = arith.constant 9.99999996E-13 : f32
    %max3A_13 = vector.broadcast %max3A : f32 to vector<1000x1xf32>
    %max3A_14 = arith.maximumf %add3A_12, %max3A_13 : vector<1000x1xf32>
    %rsqrt3A = math.rsqrt %max3A_14 : vector<1000x1xf32>
    %mul3A = vector.broadcast %rsqrt3A : vector<1000x1xf32> to vector<1000x128xf32>
    %mul3A_15 = arith.mulf %mul3A, %dot_general3A_5 : vector<1000x128xf32>
    %swap3A = arith.constant 0 : index
    %swap3A_16 = arith.constant 0 : index
    %swap3A_17 = vector.load %arg4[%swap3A, %swap3A_16] : memref<1000x128xf32, #tpu.memory_space<vmem>>, vector<1000x128xf32>
    tpu.vector_store %arg4[%swap3A, %swap3A_16], %mul3A_15 {strides = array<i32>} : memref<1000x128xf32, #tpu.memory_space<vmem>>, vector<1000x128xf32>,
    return
  }
  func.func @transform_0(%arg0: i32) -> (i32, i32) {
    %c0_i32 = arith.constant 0 : i32
    %c0_i32_0 = arith.constant 0 : i32
    return %arg0, %c0_i32 : i32, i32
  }
  func.func @transform_1(%arg0: i32) -> (i32, i32) {
    %c0_i32 = arith.constant 0 : i32
    %c0_i32_0 = arith.constant 0 : i32
    %c0_i32_1 = arith.constant 0 : i32
    return %c0_i32, %c0_i32_0 : i32, i32
  }
  func.func @transform_2(%arg0: i32) -> (i32, i32) {
    %c0_i32 = arith.constant 0 : i32
    %c0_i32_0 = arith.constant 0 : i32
    return %arg0, %c0_i32 : i32, i32
  }
  func.func @transform_3(%arg0: i32) -> (i32, i32) {
    %c0_i32 = arith.constant 0 : i32
    %c0_i32_0 = arith.constant 0 : i32
    return %arg0, %c0_i32 : i32, i32
  }
}

module attributes {stable_mosaic.version = 14 : i64} {
  func.func @_if_body(%arg0: i32, %arg1: memref<2x1000x128xf32, #tpu.memory_space<vmem>>, %arg2: memref<1000x128xf32, #tpu.memory_space<vmem>>, %arg3: memref<1000x2xf32, #tpu.memory_space<vmem>>, %arg4: memref<1x128xf32, #tpu.memory_space<vmem>>, %arg5: memref<4x1000x128xf32, #tpu.memory_space<vmem>>, %arg6: memref<4x1000x128xf32, #tpu.memory_space<vmem>>) attributes {dimension_semantics = [#tpu.dimension_semantics<arbitrary>], iteration_bounds = array<i64: 10>, scalar_prefetch = 0 : i64, scratch_operands = 0 : i64, tpu.core_type = #tpu.core_type<tc>, window_params = [{transform_indices = @transform_0, window_bounds = array<i64: 2, 1000, 128>}, {transform_indices = @transform_1, window_bounds = array<i64: 1000, 128>}, {transform_indices = @transform_2, window_bounds = array<i64: 1000, 2>}, {pipeline_mode = #tpu.pipeline_mode<synchronous>, transform_indices = @transform_3, window_bounds = array<i64: 1, 128>}, {transform_indices = @transform_4, window_bounds = array<i64: 4, 1000, 128>}, {transform_indices = @transform_5, window_bounds = array<i64: 4, 1000, 128>}]} {
    %get3A = arith.constant 0 : index
    %get3A_0 = arith.constant 0 : index
    %get3A_1 = vector.load %arg3[%get3A, %get3A_0] : memref<1000x2xf32, #tpu.memory_space<vmem>>, vector<1000x2xf32>
    %slice3A = vector.extract_strided_slice %get3A_1 {offsets = [0, 0], sizes = [1000, 1], strides = [1, 1]} : vector<1000x2xf32> to vector<1000x1xf32>
    %slice3A_2 = vector.extract_strided_slice %get3A_1 {offsets = [0, 1], sizes = [1000, 1], strides = [1, 1]} : vector<1000x2xf32> to vector<1000x1xf32>
    %add3A = arith.addf %slice3A, %slice3A_2 : vector<1000x1xf32>
    %add3A_3 = arith.constant 1.000000e+00 : f32
    %add3A_4 = vector.broadcast %add3A_3 : f32 to vector<1000x1xf32>
    %add3A_5 = arith.addf %add3A, %add3A_4 : vector<1000x1xf32>
    %max3A = arith.constant 9.99999996E-13 : f32
    %max3A_6 = vector.broadcast %max3A : f32 to vector<1000x1xf32>
    %max3A_7 = arith.maximumf %add3A_5, %max3A_6 : vector<1000x1xf32>
    %rsqrt3A = math.rsqrt %max3A_7 : vector<1000x1xf32>
    %get3A_8 = arith.constant 0 : index
    %get3A_9 = arith.constant 0 : index
    %get3A_10 = vector.load %arg2[%get3A_8, %get3A_9] : memref<1000x128xf32, #tpu.memory_space<vmem>>, vector<1000x128xf32>
    %get3A_11 = arith.constant 0 : index
    %get3A_12 = arith.constant 0 : index
    %get3A_13 = arith.constant 0 : index
    %get3A_14 = vector.load %arg1[%get3A_11, %get3A_12, %get3A_13] : memref<2x1000x128xf32, #tpu.memory_space<vmem>>, vector<1x1000x128xf32>
    %get3A_15 = vector.shape_cast %get3A_14 : vector<1x1000x128xf32> to vector<1000x128xf32>
    %get3A_16 = arith.constant 1 : index
    %get3A_17 = arith.constant 0 : index
    %get3A_18 = arith.constant 0 : index
    %get3A_19 = vector.load %arg1[%get3A_16, %get3A_17, %get3A_18] : memref<2x1000x128xf32, #tpu.memory_space<vmem>>, vector<1x1000x128xf32>
    %get3A_20 = vector.shape_cast %get3A_19 : vector<1x1000x128xf32> to vector<1000x128xf32>
    %add3A_21 = arith.addf %get3A_15, %get3A_20 : vector<1000x128xf32>
    %add3A_22 = arith.addf %add3A_21, %get3A_10 : vector<1000x128xf32>
    %mul3A = vector.broadcast %rsqrt3A : vector<1000x1xf32> to vector<1000x128xf32>
    %mul3A_23 = arith.mulf %mul3A, %add3A_22 : vector<1000x128xf32>
    %get3A_24 = arith.constant 0 : index
    %get3A_25 = arith.constant 0 : index
    %get3A_26 = vector.load %arg4[%get3A_24, %get3A_25] : memref<1x128xf32, #tpu.memory_space<vmem>>, vector<1x128xf32>
    %add3A_27 = vector.broadcast %get3A_26 : vector<1x128xf32> to vector<1000x128xf32>
    %add3A_28 = arith.addf %mul3A_23, %add3A_27 : vector<1000x128xf32>
    %broadcast_in_dim3A = arith.constant 0.000000e+00 : f32
    %broadcast_in_dim3A_29 = vector.broadcast %broadcast_in_dim3A : f32 to vector<1000x128xf32>
    %add3A_30 = arith.addf %broadcast_in_dim3A_29, %add3A_28 : vector<1000x128xf32>
    %ge3A = arith.constant 1.000000e+00 : f32
    %ge3A_31 = vector.broadcast %ge3A : f32 to vector<1000x128xf32>
    %ge3A_32 = arith.cmpf oge, %add3A_30, %ge3A_31 : vector<1000x128xf32>
    %convert_element_type3A = arith.extui %ge3A_32 : vector<1000x128xi1> to vector<1000x128xi32>
    %convert_element_type3A_33 = arith.sitofp %convert_element_type3A : vector<1000x128xi32> to vector<1000x128xf32>
    %sub3A = arith.constant 1.000000e+00 : f32
    %sub3A_34 = vector.broadcast %sub3A : f32 to vector<1000x128xf32>
    %sub3A_35 = arith.subf %sub3A_34, %convert_element_type3A_33 : vector<1000x128xf32>
    %mul3A_36 = arith.mulf %add3A_30, %sub3A_35 : vector<1000x128xf32>
    %swap3A = arith.constant 0 : index
    %swap3A_37 = arith.constant 0 : index
    %swap3A_38 = arith.constant 0 : index
    %swap3A_39 = vector.load %arg5[%swap3A, %swap3A_37, %swap3A_38] : memref<4x1000x128xf32, #tpu.memory_space<vmem>>, vector<1x1000x128xf32>
    %swap3A_40 = vector.shape_cast %swap3A_39 : vector<1x1000x128xf32> to vector<1000x128xf32>
    %swap3A_41 = vector.shape_cast %convert_element_type3A_33 : vector<1000x128xf32> to vector<1x1000x128xf32>
    tpu.vector_store %arg5[%swap3A, %swap3A_37, %swap3A_38], %swap3A_41 {strides = array<i32>} : memref<4x1000x128xf32, #tpu.memory_space<vmem>>, vector<1x1000x128xf32>,
    %swap3A_42 = arith.constant 0 : index
    %swap3A_43 = arith.constant 0 : index
    %swap3A_44 = arith.constant 0 : index
    %swap3A_45 = vector.load %arg6[%swap3A_42, %swap3A_43, %swap3A_44] : memref<4x1000x128xf32, #tpu.memory_space<vmem>>, vector<1x1000x128xf32>
    %swap3A_46 = vector.shape_cast %swap3A_45 : vector<1x1000x128xf32> to vector<1000x128xf32>
    %swap3A_47 = vector.shape_cast %mul3A_36 : vector<1000x128xf32> to vector<1x1000x128xf32>
    tpu.vector_store %arg6[%swap3A_42, %swap3A_43, %swap3A_44], %swap3A_47 {strides = array<i32>} : memref<4x1000x128xf32, #tpu.memory_space<vmem>>, vector<1x1000x128xf32>,
    %add3A_48 = arith.addf %mul3A_36, %add3A_28 : vector<1000x128xf32>
    %ge3A_49 = arith.constant 1.000000e+00 : f32
    %ge3A_50 = vector.broadcast %ge3A_49 : f32 to vector<1000x128xf32>
    %ge3A_51 = arith.cmpf oge, %add3A_48, %ge3A_50 : vector<1000x128xf32>
    %convert_element_type3A_52 = arith.extui %ge3A_51 : vector<1000x128xi1> to vector<1000x128xi32>
    %convert_element_type3A_53 = arith.sitofp %convert_element_type3A_52 : vector<1000x128xi32> to vector<1000x128xf32>
    %sub3A_54 = arith.constant 1.000000e+00 : f32
    %sub3A_55 = vector.broadcast %sub3A_54 : f32 to vector<1000x128xf32>
    %sub3A_56 = arith.subf %sub3A_55, %convert_element_type3A_53 : vector<1000x128xf32>
    %mul3A_57 = arith.mulf %add3A_48, %sub3A_56 : vector<1000x128xf32>
    %swap3A_58 = arith.constant 1 : index
    %swap3A_59 = arith.constant 0 : index
    %swap3A_60 = arith.constant 0 : index
    %swap3A_61 = vector.load %arg5[%swap3A_58, %swap3A_59, %swap3A_60] : memref<4x1000x128xf32, #tpu.memory_space<vmem>>, vector<1x1000x128xf32>
    %swap3A_62 = vector.shape_cast %swap3A_61 : vector<1x1000x128xf32> to vector<1000x128xf32>
    %swap3A_63 = vector.shape_cast %convert_element_type3A_53 : vector<1000x128xf32> to vector<1x1000x128xf32>
    tpu.vector_store %arg5[%swap3A_58, %swap3A_59, %swap3A_60], %swap3A_63 {strides = array<i32>} : memref<4x1000x128xf32, #tpu.memory_space<vmem>>, vector<1x1000x128xf32>,
    %swap3A_64 = arith.constant 1 : index
    %swap3A_65 = arith.constant 0 : index
    %swap3A_66 = arith.constant 0 : index
    %swap3A_67 = vector.load %arg6[%swap3A_64, %swap3A_65, %swap3A_66] : memref<4x1000x128xf32, #tpu.memory_space<vmem>>, vector<1x1000x128xf32>
    %swap3A_68 = vector.shape_cast %swap3A_67 : vector<1x1000x128xf32> to vector<1000x128xf32>
    %swap3A_69 = vector.shape_cast %mul3A_57 : vector<1000x128xf32> to vector<1x1000x128xf32>
    tpu.vector_store %arg6[%swap3A_64, %swap3A_65, %swap3A_66], %swap3A_69 {strides = array<i32>} : memref<4x1000x128xf32, #tpu.memory_space<vmem>>, vector<1x1000x128xf32>,
    %add3A_70 = arith.addf %mul3A_57, %add3A_28 : vector<1000x128xf32>
    %ge3A_71 = arith.constant 1.000000e+00 : f32
    %ge3A_72 = vector.broadcast %ge3A_71 : f32 to vector<1000x128xf32>
    %ge3A_73 = arith.cmpf oge, %add3A_70, %ge3A_72 : vector<1000x128xf32>
    %convert_element_type3A_74 = arith.extui %ge3A_73 : vector<1000x128xi1> to vector<1000x128xi32>
    %convert_element_type3A_75 = arith.sitofp %convert_element_type3A_74 : vector<1000x128xi32> to vector<1000x128xf32>
    %sub3A_76 = arith.constant 1.000000e+00 : f32
    %sub3A_77 = vector.broadcast %sub3A_76 : f32 to vector<1000x128xf32>
    %sub3A_78 = arith.subf %sub3A_77, %convert_element_type3A_75 : vector<1000x128xf32>
    %mul3A_79 = arith.mulf %add3A_70, %sub3A_78 : vector<1000x128xf32>
    %swap3A_80 = arith.constant 2 : index
    %swap3A_81 = arith.constant 0 : index
    %swap3A_82 = arith.constant 0 : index
    %swap3A_83 = vector.load %arg5[%swap3A_80, %swap3A_81, %swap3A_82] : memref<4x1000x128xf32, #tpu.memory_space<vmem>>, vector<1x1000x128xf32>
    %swap3A_84 = vector.shape_cast %swap3A_83 : vector<1x1000x128xf32> to vector<1000x128xf32>
    %swap3A_85 = vector.shape_cast %convert_element_type3A_75 : vector<1000x128xf32> to vector<1x1000x128xf32>
    tpu.vector_store %arg5[%swap3A_80, %swap3A_81, %swap3A_82], %swap3A_85 {strides = array<i32>} : memref<4x1000x128xf32, #tpu.memory_space<vmem>>, vector<1x1000x128xf32>,
    %swap3A_86 = arith.constant 2 : index
    %swap3A_87 = arith.constant 0 : index
    %swap3A_88 = arith.constant 0 : index
    %swap3A_89 = vector.load %arg6[%swap3A_86, %swap3A_87, %swap3A_88] : memref<4x1000x128xf32, #tpu.memory_space<vmem>>, vector<1x1000x128xf32>
    %swap3A_90 = vector.shape_cast %swap3A_89 : vector<1x1000x128xf32> to vector<1000x128xf32>
    %swap3A_91 = vector.shape_cast %mul3A_79 : vector<1000x128xf32> to vector<1x1000x128xf32>
    tpu.vector_store %arg6[%swap3A_86, %swap3A_87, %swap3A_88], %swap3A_91 {strides = array<i32>} : memref<4x1000x128xf32, #tpu.memory_space<vmem>>, vector<1x1000x128xf32>,
    %add3A_92 = arith.addf %mul3A_79, %add3A_28 : vector<1000x128xf32>
    %ge3A_93 = arith.constant 1.000000e+00 : f32
    %ge3A_94 = vector.broadcast %ge3A_93 : f32 to vector<1000x128xf32>
    %ge3A_95 = arith.cmpf oge, %add3A_92, %ge3A_94 : vector<1000x128xf32>
    %convert_element_type3A_96 = arith.extui %ge3A_95 : vector<1000x128xi1> to vector<1000x128xi32>
    %convert_element_type3A_97 = arith.sitofp %convert_element_type3A_96 : vector<1000x128xi32> to vector<1000x128xf32>
    %sub3A_98 = arith.constant 1.000000e+00 : f32
    %sub3A_99 = vector.broadcast %sub3A_98 : f32 to vector<1000x128xf32>
    %sub3A_100 = arith.subf %sub3A_99, %convert_element_type3A_97 : vector<1000x128xf32>
    %mul3A_101 = arith.mulf %add3A_92, %sub3A_100 : vector<1000x128xf32>
    %swap3A_102 = arith.constant 3 : index
    %swap3A_103 = arith.constant 0 : index
    %swap3A_104 = arith.constant 0 : index
    %swap3A_105 = vector.load %arg5[%swap3A_102, %swap3A_103, %swap3A_104] : memref<4x1000x128xf32, #tpu.memory_space<vmem>>, vector<1x1000x128xf32>
    %swap3A_106 = vector.shape_cast %swap3A_105 : vector<1x1000x128xf32> to vector<1000x128xf32>
    %swap3A_107 = vector.shape_cast %convert_element_type3A_97 : vector<1000x128xf32> to vector<1x1000x128xf32>
    tpu.vector_store %arg5[%swap3A_102, %swap3A_103, %swap3A_104], %swap3A_107 {strides = array<i32>} : memref<4x1000x128xf32, #tpu.memory_space<vmem>>, vector<1x1000x128xf32>,
    %swap3A_108 = arith.constant 3 : index
    %swap3A_109 = arith.constant 0 : index
    %swap3A_110 = arith.constant 0 : index
    %swap3A_111 = vector.load %arg6[%swap3A_108, %swap3A_109, %swap3A_110] : memref<4x1000x128xf32, #tpu.memory_space<vmem>>, vector<1x1000x128xf32>
    %swap3A_112 = vector.shape_cast %swap3A_111 : vector<1x1000x128xf32> to vector<1000x128xf32>
    %swap3A_113 = vector.shape_cast %mul3A_101 : vector<1000x128xf32> to vector<1x1000x128xf32>
    tpu.vector_store %arg6[%swap3A_108, %swap3A_109, %swap3A_110], %swap3A_113 {strides = array<i32>} : memref<4x1000x128xf32, #tpu.memory_space<vmem>>, vector<1x1000x128xf32>,
    return
  }
  func.func @transform_0(%arg0: i32) -> (i32, i32, i32) {
    %c0_i32 = arith.constant 0 : i32
    %c0_i32_0 = arith.constant 0 : i32
    %c0_i32_1 = arith.constant 0 : i32
    return %c0_i32, %arg0, %c0_i32_0 : i32, i32, i32
  }
  func.func @transform_1(%arg0: i32) -> (i32, i32) {
    %c0_i32 = arith.constant 0 : i32
    %c0_i32_0 = arith.constant 0 : i32
    return %arg0, %c0_i32 : i32, i32
  }
  func.func @transform_2(%arg0: i32) -> (i32, i32) {
    %c0_i32 = arith.constant 0 : i32
    %c0_i32_0 = arith.constant 0 : i32
    return %arg0, %c0_i32 : i32, i32
  }
  func.func @transform_3(%arg0: i32) -> (i32, i32) {
    %c0_i32 = arith.constant 0 : i32
    %c0_i32_0 = arith.constant 0 : i32
    %c0_i32_1 = arith.constant 0 : i32
    return %c0_i32, %c0_i32_0 : i32, i32
  }
  func.func @transform_4(%arg0: i32) -> (i32, i32, i32) {
    %c0_i32 = arith.constant 0 : i32
    %c0_i32_0 = arith.constant 0 : i32
    %c0_i32_1 = arith.constant 0 : i32
    return %c0_i32, %arg0, %c0_i32_0 : i32, i32, i32
  }
  func.func @transform_5(%arg0: i32) -> (i32, i32, i32) {
    %c0_i32 = arith.constant 0 : i32
    %c0_i32_0 = arith.constant 0 : i32
    %c0_i32_1 = arith.constant 0 : i32
    return %c0_i32, %arg0, %c0_i32_0 : i32, i32, i32
  }
}

</mosaic_0001>

<sc_bundles>
// kernel: kernel.6.cloned.1.call-start
scs
__scs_entry_jumppad:
0x0: {  	(pc) =	sbr.rel $0x88, $3  }
0x1: {  	(tag) =	ssettag $0x0;
	lr =	simm.s32 $0x1  }
0x2: {  	[smem:$0x3F9D] =	sst lr;
	_ =	strace $0xD0000000  }
0x3: {  	_ = 	snop  }
0x4: {  	_ = 	snop  }
0x5: {  	_ = 	snop  }
0x6: {  	_ = 	snop  }
0x7: {  	_ = 	snop  }
__scs_overlays_trampoline_lowered:
0x8: {  	[smem:$0x3FAC] =	sst s0  }
0x9: {  	[smem:$0x3FAD] =	sst s1  }
0xa: {  	[smem:$0x3FAE] =	sst s2  }
0xb: {  	[smem:$0x3FAF] =	sst s3  }
0xc: {  	[smem:$0x3FB0] =	sst s4  }
0xd: {  	[smem:$0x3FB1] =	sst s5  }
0xe: {  	[smem:$0x3FB2] =	sst s6  }
0xf: {  	[smem:$0x3FB3] =	sst s7  }
0x10: {  	[smem:$0x3FB4] =	sst s8  }
0x11: {  	[smem:$0x3FB5] =	sst s9;
	s0 =	simm.s32 @!p0 $0x0  }
0x12: {  	s1 =	sld [smem:$0x3F9B];
	s0 =	simm.s32 @p0 $0x1  }
0x13: {  	[smem:$0x3FB6] =	sst s0;
	s0 =	simm.s32 @!p1 $0x0  }
0x14: {  	s2 =	sld [smem:$0x3F9A];
	s0 =	simm.s32 @p1 $0x1  }
0x15: {  	[smem:$0x3FB7] =	sst s0;
	s0 =	simm.s32 @!p2 $0x0  }
0x16: {  	s3 =	sld [smem:$0x3FDB];
	s0 =	simm.s32 @p2 $0x1  }
0x17: {  	s4 =	simm.s32 $0x1BF5;
	[smem:$0x3FB9] =	sst s0  }
0x18: {  	s0 =	sld [smem:$0x3F9C];
	_ =	swait.ge [sflag:s4], $0x0  }
0x19: {  	s7 =	sld [smem:$0x3F9D]  }
0x1a: {  	s8 =	sadd.s32 $0xFFFFE003, lr  }
0x1b: {  	s9 =	sadd.s32 $0xFFFFFEF7, lr;
	s5 =	simm.s32 $0xFFFFFFFF;
	p2 =	slt.u32 s8, $0xFFFFF086  }
0x1c: {  	p1 =	slt.u32 s9, $0xF7A;
	s5 =	simm.s32 @!p2 $0x0  }
0x1d: {  	s5 =	simm.s32 @p1 $0x1;
	p0 =	seq.s32 s7, s2  }
0x1e: {  	s7 =	smul.u32 @!p0 $0xF7A, s2;
	p2 =	seq.s32 @!p0 s5, $0x0  }
0x1f: {  	s9 =	smul.u32 $0xF7A, s1;
	s8 =	simm.s32 @!p0 $0x1BF5;
	p2 =	por !p2, p0  }
0x20: {  	[sflag:s8] =	ssyncset.s32 @!p0 $0xFFFFF086;
	s6 =	sadd.s32 @!p0 s3, s7;
	s7 =	simm.s32 @!p0 $0x108  }
0x21: {  	s3 =	sadd.s32 s3, s9;
	s6 =	sadd.s32 @!p0 $0x88, s6;
	s7 =	simm.s32 @p2 $0x1082  }
0x22: {  	[simem:s7], [sflag:s8] =	dma.local @!p0 [hbm:s6], $0xF7A  }
0x23: {  	s9 =	sor.u32 $0xD0000000, s2;
	s6 =	simm.s32 $0x108;
	_ =	swait.ge @!p0 [sflag:s8], $0x0  }
0x24: {  	s3 =	sadd.s32 $0x88, s3;
	s6 =	simm.s32 @!p1 $0x1082;
	[sflag:s4] =	ssyncset.s32 $0xFFFFF086  }
0x25: {  	[simem:s6], [sflag:s4] =	dma.local [hbm:s3], $0xF7A  }
0x26: {  	[smem:$0x3F9D] =	sst s1;
	(tag) =	ssettag s2;
	_ =	strace s9  }
0x27: {  	s1 =	sld [smem:$0x3FAD]  }
0x28: {  	s2 =	sld [smem:$0x3FAE]  }
0x29: {  	s4 =	sld [smem:$0x3FB0]  }
0x2a: {  	p0 =	seq.s32 s5, $0x0;
	s5 =	sld [smem:$0x3FB1]  }
0x2b: {  	s6 =	sld [smem:$0x3FB2]  }
0x2c: {  	s7 =	sld [smem:$0x3FB3]  }
0x2d: {  	s3 =	simm.s32 $0x108;
	s8 =	sld [smem:$0x3FB4]  }
0x2e: {  	s3 =	simm.s32 @!p0 $0x1082;
	s9 =	sld [smem:$0x3FB5]  }
0x2f: {  	lr =	sadd.s32 s0, s3;
	s0 =	sld [smem:$0x3FAC]  }
0x30: {  	s3 =	sld [smem:$0x3FAF]  }
0x31: {  	[smem:$0x3FB8] =	sst s10  }
0x32: {  	s10 =	sld [smem:$0x3FB6];
	_ =	sdelay $0x3  }
0x33: {  	p0 =	seq.s32 s10, $0x1;
	s10 =	sld [smem:$0x3FB8];
	_ =	sdelay $0x3  }
0x34: {  	[smem:$0x3FB8] =	sst s10  }
0x35: {  	s10 =	sld [smem:$0x3FB7];
	_ =	sdelay $0x3  }
0x36: {  	p1 =	seq.s32 s10, $0x1;
	s10 =	sld [smem:$0x3FB8];
	_ =	sdelay $0x3  }
0x37: {  	[smem:$0x3FB8] =	sst s10  }
0x38: {  	s10 =	sld [smem:$0x3FB9]  }
0x39: {  	_ = 	snop;
	(pc) =	sbr.ind lr, $3  }
0x3a: {  	_ = 	snop  }
0x3b: {  	_ = 	snop  }
0x3c: {  	p2 =	seq.s32 s10, $0x1;
	s10 =	sld [smem:$0x3FB8]  }
0x3d: {  	_ =	shalt  }
0x3e: {  	_ =	shalt  }
0x3f: {  	_ =	shalt  }
0x40: {  	_ =	shalt  }
0x41: {  	_ =	shalt  }
0x42: {  	_ =	shalt  }
0x43: {  	_ =	shalt  }
0x44: {  	_ =	shalt  }
0x45: {  	_ =	shalt  }
0x46: {  	_ =	shalt  }
0x47: {  	_ =	shalt  }
0x48: {  	_ =	shalt  }
0x49: {  	_ =	shalt  }
0x4a: {  	_ =	shalt  }
0x4b: {  	_ =	shalt  }
0x4c: {  	_ =	shalt  }
0x4d: {  	_ =	shalt  }
0x4e: {  	_ =	shalt  }
0x4f: {  	_ =	shalt  }
0x50: {  	_ =	shalt  }
0x51: {  	_ =	shalt  }
0x52: {  	_ =	shalt  }
0x53: {  	_ =	shalt  }
0x54: {  	_ =	shalt  }
0x55: {  	_ =	shalt  }
0x56: {  	_ =	shalt  }
0x57: {  	_ =	shalt  }
0x58: {  	_ =	shalt  }
0x59: {  	_ =	shalt  }
0x5a: {  	_ =	shalt  }
0x5b: {  	_ =	shalt  }
0x5c: {  	_ =	shalt  }
0x5d: {  	_ =	shalt  }
0x5e: {  	_ =	shalt  }
0x5f: {  	_ =	shalt  }
0x60: {  	_ =	shalt  }
0x61: {  	_ =	shalt  }
0x62: {  	_ =	shalt  }
0x63: {  	_ =	shalt  }
0x64: {  	_ =	shalt  }
0x65: {  	_ =	shalt  }
0x66: {  	_ =	shalt  }
0x67: {  	_ =	shalt  }
0x68: {  	_ =	shalt  }
0x69: {  	_ =	shalt  }
0x6a: {  	_ =	shalt  }
0x6b: {  	_ =	shalt  }
0x6c: {  	_ =	shalt  }
0x6d: {  	_ =	shalt  }
0x6e: {  	_ =	shalt  }
0x6f: {  	_ =	shalt  }
0x70: {  	_ =	shalt  }
0x71: {  	_ =	shalt  }
0x72: {  	_ =	shalt  }
0x73: {  	_ =	shalt  }
0x74: {  	_ =	shalt  }
0x75: {  	_ =	shalt  }
0x76: {  	_ =	shalt  }
0x77: {  	_ =	shalt  }
0x78: {  	_ =	shalt  }
0x79: {  	_ =	shalt  }
0x7a: {  	_ =	shalt  }
0x7b: {  	_ =	shalt  }
0x7c: {  	_ =	shalt  }
0x7d: {  	_ =	shalt  }
0x7e: {  	_ =	shalt  }
0x7f: {  	_ =	shalt  }
0x80: {  	_ =	shalt  }
0x81: {  	_ =	shalt  }
0x82: {  	_ =	shalt  }
0x83: {  	_ =	shalt  }
0x84: {  	_ =	shalt  }
0x85: {  	_ =	shalt  }
0x86: {  	_ =	shalt  }
0x87: {  	_ =	shalt  }
.Lfunc_end0:
.L_simem_size_0:
called_computation_lowered:
.L_overlay_start_0:
0x88: {  	s2 =	sld [smem:$0x3FD9]  }
0x89: {  	s3 =	sld [smem:$0x3FFE];
	_ =	sdelay $0x1  }
0x8a: {  	s1 =	srdreg.scid  }
0x8b: {  	s0 =	sand.u32 $0x1, s1  }
0x8c: {  	s14 =	sshll.u32 s0, $0xA;
	s2 =	sadd.s32 s3, s2  }
0x8d: {  	s2 =	sadd.s32 s2, s14  }
0x8e: {  	[smem:$0x3FC4] =	sst s2  }
0x8f: {  	_ = 	snop  }
0x90: {  	s2 =	sld [smem:$0x3FD0];
	_ =	sdelay $0x2  }
0x91: {  	s15 =	simm.s32 $0xA;
	s4 =	simm.s32 $0x10  }
0x92: {  	[smem:s4], [sflag:s15] =	dma.local [hbm:s2], $0x1  }
0x93: {  	_ =	swait.eq [sflag:s15], $0x1  }
0x94: {  	[sflag:s15] =	ssyncset.done $0x0  }
0x95: {  	s16 =	sld [smem:$0x10];
	[sflag:s15] =	ssyncadd.s32 $0xFFFFFFFF  }
0x96: {  	s17 =	sld [smem:$0x11];
	(tm) =	ssettm $0x1  }
0x97: {  	s18 =	sld [smem:$0x3FFB];
	_ =	sdelay $0x3  }
0x98: {  	_ =	strace s18  }
0x99: {  	s4 =	sld [smem:$0x3FFC];
	_ =	sdelay $0x3  }
0x9a: {  	_ =	strace s4  }
0x9b: {  	s4 =	sld [smem:$0x3FFD];
	_ =	sdelay $0x3  }
0x9c: {  	_ =	strace s4  }
0x9d: {  	_ =	strace $0x8FFFFFFF  }
0x9e: {  	s19 =	sld [smem:$0x3FDB];
	_ =	sdelay $0x1  }
0x9f: {  	s5 =	simm.s32 $_scs_section_size  }
0xa0: {  	s6 =	simm.s32 $_size__tile_overlayer_lowered;
	s7 =	simm.s32 $_tile_overlayer_lowered  }
0xa1: {  	s22 =	simm.s32 $0x1BFF;
	s21 =	sshll.u32 s7, $0x1;
	s4 =	sadd.s32 s5, s19  }
0xa2: {  	s8 =	simm.s32 $0x0;
	s20 =	sshll.u32 s6, $0x1;
	s6 =	sadd.s32 s21, s4  }
0xa3: {  	[timem:s8], [sflag:s22] =	dma.local [hbm:s6], s20  }
0xa4: {  	_ =	swait.ge [sflag:s22], s20  }
0xa5: {  	s5 =	ssub.s32 $0x0, s20;
	[sflag:s22] =	ssyncset.done $0x0  }
0xa6: {  	[sflag:s22] =	ssyncadd.s32 s5;
	_ =	sdelay $0x1  }
0xa7: {  	s23 =	simm.s32 $0x1B8B  }
0xa8: {  	_ =	swait.ge [sflag:s23], $0x1  }
0xa9: {  	[sflag:s23] =	ssyncset.done $0x0  }
0xaa: {  	s25 =	simm.s32 $0x1B8E;
	s24 =	sld [smem:$0x3FFE];
	[sflag:s23] =	ssyncadd.s32 $0xFFFFFFFF  }
0xab: {  	s26 =	simm.s32 $execute0_lowered;
	[smem:$0x3FD2] =	sst s25  }
0xac: {  	s6 =	sshll.u32 s26, $0x1;
	_ =	strace $0x80000046;
	[dreg:$0x1] =	wrdreg $0xFFFFFFFF  }
0xad: {  	s28 =	simm.s32 $_size_execute0_lowered;
	s4 =	sadd.s32 s4, s6;
	[dreg:$0x0] =	wrdreg $0x0  }
0xae: {  	s6 =	sshll.u32 s28, $0x1;
	[dreg:$0x2] =	wrdreg s4  }
0xaf: {  	[dreg:$0x3] =	wrdreg s6  }
0xb0: {  	[dreg:$0x4] =	wrdreg $0xC0  }
0xb1: {  	_ =	task [dreg:s8], $0x5FFFF  }
0xb2: {  	[dreg:$0x1] =	wrdreg $0xFFFFFFFF  }
0xb3: {  	[dreg:$0x0] =	wrdreg $0x60  }
0xb4: {  	[dreg:$0x2] =	wrdreg s17  }
0xb5: {  	[dreg:$0x3] =	wrdreg s24  }
0xb6: {  	[dreg:$0x4] =	wrdreg s16  }
0xb7: {  	[dreg:$0x5] =	wrdreg $0x40800  }
0xb8: {  	[dreg:$0x6] =	wrdreg $0x9  }
0xb9: {  	_ =	task.clear_ibuf [dreg:s8], $0x7FFFF;
	_ =	strace $0x90000046  }
0xba: {  	s29 =	simm.s32 $0x9;
	_ =	strace $0x80000048  }
0xbb: {  	_ =	swait.ge [sflag:s29], $0x1  }
0xbc: {  	[sflag:s29] =	ssyncadd.s32 $0xFFFFFFFF  }
0xbd: {  	_ =	strace $0x90000048  }
0xbe: {  	_ =	sfence  }
0xbf: {  	s30 =	sld [smem:$0x0];
	_ =	sdelay $0x2  }
0xc0: {  	s31 =	sshll.u32 s1, $0xD;
	s1 =	sshrl.u32 s1, $0x2  }
0xc1: {  	s3 =	sand.u32 $0x4000, s31;
	s1 =	sadd.s32 s1, s30  }
0xc2: {  	s0 =	sor.u32 s3, s0;
	s1 =	sshll.u32 s1, $0x11  }
0xc3: {  	s0 =	sor.u32 s1, s0  }
0xc4: {  	s0 =	sadd.s32 $0x8F2B, s0  }
0xc5: {  	[sflag:s0] =	ssyncadd.remote.s32 $0x1  }
0xc6: {  	_ =	sfence.sel $0xFFFF  }
0xc7: {  	[dreg:$0x0] =	wrdreg $0xFFFFFFFF;
	(pc) =	sbr.abs _section_cstart, $3  }
0xc8: {  	[dreg:$0x1] =	wrdreg $0xFFFFFFFF  }
0xc9: {  	_ =	task.clear_ibuf [dreg:s8], $0x2FFFF;
	_ =	strace $0x9FFFFFFF  }
0xca: {  	(tm) =	ssettm $0x7FFFFFFF  }
0xcb: {  	_ =	shalt  }
tec
execute0_lowered:
.L_overlay_start_1:
0x0: {  	(tag) =	ssettag $0x1  }
0x1: {  	s4 =	rddreg [dreg:$0x0]  }
0x2: {  	s3 =	rddreg [dreg:$0x1]  }
0x3: {  	s5 =	rddreg [dreg:$0x2]  }
0x4: {  	s1 =	rddreg [dreg:$0x3]  }
0x5: {  	s6 =	srdreg.scid;
	s0 =	rddreg [dreg:$0x4];
	s2 =	simm.s32 $0x0  }
0x6: {  	s8 =	stileid.u32;
	s11 =	simm.s32 $0x0;
	s6 =	sand.u32 $0x1, s6  }
0x7: {  	[smem:$0x7FF] =	sst s2;
	s3 =	sadd.s32 $0x1200, s3;
	s31 =	sshll.u32 s8, $0xB  }
0x8: {  	p0 =	sne.s32 s8, $0x0;
	s8 =	simm.s32 $0x1;
	s7 =	ssub.s32 $0x2, s6  }
0x9: {  	_ =	strace $0x80000047;
	s10 =	sshll.u32 s6, $0xF;
	s4 =	sadd.s32 s4, s31  }
0xa: {  	s6 =	sshll.u32 s6, $0x4;
	s9 =	sshrl.u32 s7, $0x1;
	s4 =	sadd.s32 s10, s4  }
0xb: {  	s5 =	sadd.s32 s5, s6;
	s10 =	simm.s32 $0x4000;
	s7 =	ssub.s32 s7, s9  }
0xc: {  	v0 =	vimm.f32 $1.000000000e+00;
	s9 =	simm.s32 $0x50;
	s6 =	smax.u32 s7, $0x1;
	s7 =	sshrl.u32 @!p0 s1, $0x3  }
.LBB2_1:
0xd: {  	s12 =	simm.s32 @!p0 $0x1C01  }
0xe: {  	[spmem:s7], [sflag:s12] =	dma.local @!p0 [hbm:s3], $0x4F0  }
0xf: {  	s12 =	simm.s32 @!p0 $0x1  }
0x10: {  	_ =	swait.ge @!p0 [sflag:s12], $0x4F0  }
0x11: {  	[sflag:s12] =	ssyncset.done @!p0 $0x0  }
0x12: {  	[sflag:s12] =	ssyncadd.s32 @!p0 $0xFFFFFB10  }
0x13: {  	[tilespmem:$0x4000] =	vst v0  }
0x14: {  	[tilespmem:$0x4010] =	vst v0  }
0x15: {  	[tilespmem:$0x4020] =	vst v0  }
0x16: {  	[tilespmem:$0x4030] =	vst v0  }
0x17: {  	[tilespmem:$0x4040] =	vst v0  }
0x18: {  	[tilespmem:s2], [sflag:$0x1] =	stream.linear.gather [hbm4b:s4+s2], $0x3E80, $0x38;
	[tilespmem:$0x42F8] =	vst v63  }
0x19: {  	_ =	swait.ge [sflag:s8], $0x3E80  }
0x1a: {  	[sflag:s8] =	ssyncset.done $0x0  }
0x1b: {  	[sflag:s8] =	ssyncadd.s32 $0xFFFFC180  }
0x1c: {  	s31 =	simm.s32 $0x0;
	[bflag:$0x0] =	sbarrier.arrive $0xFFFF  }
0x1d: {  	[spmem:s1] =	stream.indirect.scatter.add.f32 [tilespmem:s10], [sflag:$0x1], $0x1, s31, s9, $0xb8;
	[tilespmem:$0x42F8] =	vst v63  }
0x1e: {  	_ =	swait.ge [sflag:s8], $0x50  }
0x1f: {  	s12 =	simm.s32 $0x200;
	[sflag:s8] =	ssyncset.done $0x0  }
.LBB2_2:
0x20: {  	s13 =	sshra.s32 s12, $0x2;
	[sflag:s8] =	ssyncadd.s32 $0xFFFFFFB0;
	p1 =	sne.s32 s12, $0xF800  }
0x21: {  	[spmem:s1] =	stream.indirect.scatter.add.f32 [tilespmem:s10], [sflag:$0x1], $0x1, s13, s9, $0xb8;
	[tilespmem:$0x42F8] =	vst v63  }
.Ltmp0:
0x22: {  	_ = 	snop;
	(pc) =	sbr.rel @p1 .LBB2_2-.Ltmp0, $4  }
0x23: {  	_ = 	snop  }
0x24: {  	s12 =	sadd.s32 $0x200, s12  }
0x25: {  	_ =	swait.ge [sflag:s8], $0x50  }
0x26: {  	[sflag:s8] =	ssyncset.done $0x0  }
0x27: {  	[sflag:s8] =	ssyncadd.s32 $0xFFFFFFB0;
	s12 =	simm.s32 @!p0 $0x1;
	s11 =	sadd.s32 $0x1, s11  }
0x28: {  	s13 =	simm.s32 @!p0 $0x20;
	s14 =	simm.s32 @!p0 $0x10;
	p1 =	sne.s32 s11, s6  }
.Ltmp1:
0x29: {  	s15 =	simm.s32 @!p0 $0x1C01;
	[bflag:$0x0] =	sbarrier.arrive $0xFFFF;
	(pc) =	sbr.rel @p1 .LBB2_1-.Ltmp1, $4  }
0x2a: {  	[hbm:s5@s13], [sflag:s15] =	dma.strided @!p0 [spmem:s7@s14], $0x4F0, s12, $0x10   }
0x2b: {  	_ =	swait.ge @!p0 [sflag:s12], $0x4F0  }
0x2c: {  	[sflag:s12] =	ssyncset.done @!p0 $0x0  }
0x2d: {  	[sflag:s12] =	ssyncadd.s32 @!p0 $0xFFFFFB10  }
0x2e: {  	_ =	sfence.sel $0x180000  }
0x2f: {  	[bflag:$0x0] =	sbarrier.arrive $0xFFFF  }
0x30: {  	_ =	strace $0x90000047  }
0x31: {  	s0 =	sadd.s32 @!p0 $0x100000, s0;
	[bflag:$0x2] =	sbarrier.arrive $0xFFFF  }
0x32: {  	[sflag:s0] =	ssyncadd.tile.s32 @!p0 $0x1;
	_ =	shalt  }
.Lfunc_end2:
_tile_overlayer_lowered:
.L_overlay_start_2:
0x33: {  	(tag) =	ssettag $0x2  }
0x34: {  	s0 =	rddreg [dreg:$0x0];
	s2 =	stileid.u32  }
0x35: {  	s1 =	rddreg [dreg:$0x1];
	p0 =	sne.s32 s2, $0x0  }
0x36: {  	s3 =	rddreg [dreg:$0x2];
	[bflag:$0x3] =	sbarrier.arrive $0xFFFF;
	s2 =	simm.s32 @!p0 $0x1C01  }
0x37: {  	[timem:s3], [sflag:s2] =	dma.local @!p0 [hbm:s0], s1  }
0x38: {  	s0 =	simm.s32 @!p0 $0x1  }
0x39: {  	_ =	swait.ge @!p0 [sflag:s0], s1  }
0x3a: {  	s1 =	ssub.s32 @!p0 $0x0, s1;
	[sflag:s0] =	ssyncset.done @!p0 $0x0  }
0x3b: {  	[sflag:s0] =	ssyncadd.s32 @!p0 s1  }
0x3c: {  	[bflag:$0x3] =	sbarrier.arrive $0xFFFF  }
0x3d: {  	_ =	shalt  }

// kernel: kernel.9.cloned.1.call-start
scs
__scs_entry_jumppad:
0x0: {  	(pc) =	sbr.rel $0x88, $3  }
0x1: {  	(tag) =	ssettag $0x0;
	lr =	simm.s32 $0x1  }
0x2: {  	[smem:$0x3F9D] =	sst lr;
	_ =	strace $0xD0000000  }
0x3: {  	_ = 	snop  }
0x4: {  	_ = 	snop  }
0x5: {  	_ = 	snop  }
0x6: {  	_ = 	snop  }
0x7: {  	_ = 	snop  }
__scs_overlays_trampoline_lowered:
0x8: {  	[smem:$0x3FAC] =	sst s0  }
0x9: {  	[smem:$0x3FAD] =	sst s1  }
0xa: {  	[smem:$0x3FAE] =	sst s2  }
0xb: {  	[smem:$0x3FAF] =	sst s3  }
0xc: {  	[smem:$0x3FB0] =	sst s4  }
0xd: {  	[smem:$0x3FB1] =	sst s5  }
0xe: {  	[smem:$0x3FB2] =	sst s6  }
0xf: {  	[smem:$0x3FB3] =	sst s7  }
0x10: {  	[smem:$0x3FB4] =	sst s8  }
0x11: {  	[smem:$0x3FB5] =	sst s9;
	s0 =	simm.s32 @!p0 $0x0  }
0x12: {  	s1 =	sld [smem:$0x3F9B];
	s0 =	simm.s32 @p0 $0x1  }
0x13: {  	[smem:$0x3FB6] =	sst s0;
	s0 =	simm.s32 @!p1 $0x0  }
0x14: {  	s2 =	sld [smem:$0x3F9A];
	s0 =	simm.s32 @p1 $0x1  }
0x15: {  	[smem:$0x3FB7] =	sst s0;
	s0 =	simm.s32 @!p2 $0x0  }
0x16: {  	s3 =	sld [smem:$0x3FDB];
	s0 =	simm.s32 @p2 $0x1  }
0x17: {  	s4 =	simm.s32 $0x1BF5;
	[smem:$0x3FB9] =	sst s0  }
0x18: {  	s0 =	sld [smem:$0x3F9C];
	_ =	swait.ge [sflag:s4], $0x0  }
0x19: {  	s7 =	sld [smem:$0x3F9D]  }
0x1a: {  	s8 =	sadd.s32 $0xFFFFE003, lr  }
0x1b: {  	s9 =	sadd.s32 $0xFFFFFEF7, lr;
	s5 =	simm.s32 $0xFFFFFFFF;
	p2 =	slt.u32 s8, $0xFFFFF086  }
0x1c: {  	p1 =	slt.u32 s9, $0xF7A;
	s5 =	simm.s32 @!p2 $0x0  }
0x1d: {  	s5 =	simm.s32 @p1 $0x1;
	p0 =	seq.s32 s7, s2  }
0x1e: {  	s7 =	smul.u32 @!p0 $0xF7A, s2;
	p2 =	seq.s32 @!p0 s5, $0x0  }
0x1f: {  	s9 =	smul.u32 $0xF7A, s1;
	s8 =	simm.s32 @!p0 $0x1BF5;
	p2 =	por !p2, p0  }
0x20: {  	[sflag:s8] =	ssyncset.s32 @!p0 $0xFFFFF086;
	s6 =	sadd.s32 @!p0 s3, s7;
	s7 =	simm.s32 @!p0 $0x108  }
0x21: {  	s3 =	sadd.s32 s3, s9;
	s6 =	sadd.s32 @!p0 $0x88, s6;
	s7 =	simm.s32 @p2 $0x1082  }
0x22: {  	[simem:s7], [sflag:s8] =	dma.local @!p0 [hbm:s6], $0xF7A  }
0x23: {  	s9 =	sor.u32 $0xD0000000, s2;
	s6 =	simm.s32 $0x108;
	_ =	swait.ge @!p0 [sflag:s8], $0x0  }
0x24: {  	s3 =	sadd.s32 $0x88, s3;
	s6 =	simm.s32 @!p1 $0x1082;
	[sflag:s4] =	ssyncset.s32 $0xFFFFF086  }
0x25: {  	[simem:s6], [sflag:s4] =	dma.local [hbm:s3], $0xF7A  }
0x26: {  	[smem:$0x3F9D] =	sst s1;
	(tag) =	ssettag s2;
	_ =	strace s9  }
0x27: {  	s1 =	sld [smem:$0x3FAD]  }
0x28: {  	s2 =	sld [smem:$0x3FAE]  }
0x29: {  	s4 =	sld [smem:$0x3FB0]  }
0x2a: {  	p0 =	seq.s32 s5, $0x0;
	s5 =	sld [smem:$0x3FB1]  }
0x2b: {  	s6 =	sld [smem:$0x3FB2]  }
0x2c: {  	s7 =	sld [smem:$0x3FB3]  }
0x2d: {  	s3 =	simm.s32 $0x108;
	s8 =	sld [smem:$0x3FB4]  }
0x2e: {  	s3 =	simm.s32 @!p0 $0x1082;
	s9 =	sld [smem:$0x3FB5]  }
0x2f: {  	lr =	sadd.s32 s0, s3;
	s0 =	sld [smem:$0x3FAC]  }
0x30: {  	s3 =	sld [smem:$0x3FAF]  }
0x31: {  	[smem:$0x3FB8] =	sst s10  }
0x32: {  	s10 =	sld [smem:$0x3FB6];
	_ =	sdelay $0x3  }
0x33: {  	p0 =	seq.s32 s10, $0x1;
	s10 =	sld [smem:$0x3FB8];
	_ =	sdelay $0x3  }
0x34: {  	[smem:$0x3FB8] =	sst s10  }
0x35: {  	s10 =	sld [smem:$0x3FB7];
	_ =	sdelay $0x3  }
0x36: {  	p1 =	seq.s32 s10, $0x1;
	s10 =	sld [smem:$0x3FB8];
	_ =	sdelay $0x3  }
0x37: {  	[smem:$0x3FB8] =	sst s10  }
0x38: {  	s10 =	sld [smem:$0x3FB9]  }
0x39: {  	_ = 	snop;
	(pc) =	sbr.ind lr, $3  }
0x3a: {  	_ = 	snop  }
0x3b: {  	_ = 	snop  }
0x3c: {  	p2 =	seq.s32 s10, $0x1;
	s10 =	sld [smem:$0x3FB8]  }
0x3d: {  	_ =	shalt  }
0x3e: {  	_ =	shalt  }
0x3f: {  	_ =	shalt  }
0x40: {  	_ =	shalt  }
0x41: {  	_ =	shalt  }
0x42: {  	_ =	shalt  }
0x43: {  	_ =	shalt  }
0x44: {  	_ =	shalt  }
0x45: {  	_ =	shalt  }
0x46: {  	_ =	shalt  }
0x47: {  	_ =	shalt  }
0x48: {  	_ =	shalt  }
0x49: {  	_ =	shalt  }
0x4a: {  	_ =	shalt  }
0x4b: {  	_ =	shalt  }
0x4c: {  	_ =	shalt  }
0x4d: {  	_ =	shalt  }
0x4e: {  	_ =	shalt  }
0x4f: {  	_ =	shalt  }
0x50: {  	_ =	shalt  }
0x51: {  	_ =	shalt  }
0x52: {  	_ =	shalt  }
0x53: {  	_ =	shalt  }
0x54: {  	_ =	shalt  }
0x55: {  	_ =	shalt  }
0x56: {  	_ =	shalt  }
0x57: {  	_ =	shalt  }
0x58: {  	_ =	shalt  }
0x59: {  	_ =	shalt  }
0x5a: {  	_ =	shalt  }
0x5b: {  	_ =	shalt  }
0x5c: {  	_ =	shalt  }
0x5d: {  	_ =	shalt  }
0x5e: {  	_ =	shalt  }
0x5f: {  	_ =	shalt  }
0x60: {  	_ =	shalt  }
0x61: {  	_ =	shalt  }
0x62: {  	_ =	shalt  }
0x63: {  	_ =	shalt  }
0x64: {  	_ =	shalt  }
0x65: {  	_ =	shalt  }
0x66: {  	_ =	shalt  }
0x67: {  	_ =	shalt  }
0x68: {  	_ =	shalt  }
0x69: {  	_ =	shalt  }
0x6a: {  	_ =	shalt  }
0x6b: {  	_ =	shalt  }
0x6c: {  	_ =	shalt  }
0x6d: {  	_ =	shalt  }
0x6e: {  	_ =	shalt  }
0x6f: {  	_ =	shalt  }
0x70: {  	_ =	shalt  }
0x71: {  	_ =	shalt  }
0x72: {  	_ =	shalt  }
0x73: {  	_ =	shalt  }
0x74: {  	_ =	shalt  }
0x75: {  	_ =	shalt  }
0x76: {  	_ =	shalt  }
0x77: {  	_ =	shalt  }
0x78: {  	_ =	shalt  }
0x79: {  	_ =	shalt  }
0x7a: {  	_ =	shalt  }
0x7b: {  	_ =	shalt  }
0x7c: {  	_ =	shalt  }
0x7d: {  	_ =	shalt  }
0x7e: {  	_ =	shalt  }
0x7f: {  	_ =	shalt  }
0x80: {  	_ =	shalt  }
0x81: {  	_ =	shalt  }
0x82: {  	_ =	shalt  }
0x83: {  	_ =	shalt  }
0x84: {  	_ =	shalt  }
0x85: {  	_ =	shalt  }
0x86: {  	_ =	shalt  }
0x87: {  	_ =	shalt  }
.Lfunc_end0:
.L_simem_size_0:
called_computation.1_lowered:
.L_overlay_start_0:
0x88: {  	s2 =	sld [smem:$0x3FD9]  }
0x89: {  	s3 =	sld [smem:$0x3FFE];
	_ =	sdelay $0x1  }
0x8a: {  	s1 =	srdreg.scid  }
0x8b: {  	s0 =	sand.u32 $0x1, s1  }
0x8c: {  	s14 =	sshll.u32 s0, $0xA;
	s2 =	sadd.s32 s3, s2  }
0x8d: {  	s2 =	sadd.s32 s2, s14  }
0x8e: {  	[smem:$0x3FC4] =	sst s2  }
0x8f: {  	_ = 	snop  }
0x90: {  	s2 =	sld [smem:$0x3FD0];
	_ =	sdelay $0x2  }
0x91: {  	s15 =	simm.s32 $0xA;
	s4 =	simm.s32 $0x10  }
0x92: {  	[smem:s4], [sflag:s15] =	dma.local [hbm:s2], $0x1  }
0x93: {  	_ =	swait.eq [sflag:s15], $0x1  }
0x94: {  	[sflag:s15] =	ssyncset.done $0x0  }
0x95: {  	s16 =	sld [smem:$0x10];
	[sflag:s15] =	ssyncadd.s32 $0xFFFFFFFF  }
0x96: {  	s17 =	sld [smem:$0x11];
	(tm) =	ssettm $0x1  }
0x97: {  	s18 =	sld [smem:$0x3FFB];
	_ =	sdelay $0x3  }
0x98: {  	_ =	strace s18  }
0x99: {  	s4 =	sld [smem:$0x3FFC];
	_ =	sdelay $0x3  }
0x9a: {  	_ =	strace s4  }
0x9b: {  	s4 =	sld [smem:$0x3FFD];
	_ =	sdelay $0x3  }
0x9c: {  	_ =	strace s4  }
0x9d: {  	_ =	strace $0x8FFFFFFF  }
0x9e: {  	s19 =	sld [smem:$0x3FDB];
	_ =	sdelay $0x1  }
0x9f: {  	s5 =	simm.s32 $_scs_section_size  }
0xa0: {  	s6 =	simm.s32 $_size__tile_overlayer_lowered;
	s7 =	simm.s32 $_tile_overlayer_lowered  }
0xa1: {  	s22 =	simm.s32 $0x1BFF;
	s21 =	sshll.u32 s7, $0x1;
	s4 =	sadd.s32 s5, s19  }
0xa2: {  	s8 =	simm.s32 $0x0;
	s20 =	sshll.u32 s6, $0x1;
	s6 =	sadd.s32 s21, s4  }
0xa3: {  	[timem:s8], [sflag:s22] =	dma.local [hbm:s6], s20  }
0xa4: {  	_ =	swait.ge [sflag:s22], s20  }
0xa5: {  	s5 =	ssub.s32 $0x0, s20;
	[sflag:s22] =	ssyncset.done $0x0  }
0xa6: {  	[sflag:s22] =	ssyncadd.s32 s5;
	_ =	sdelay $0x1  }
0xa7: {  	s23 =	simm.s32 $0x1B8B  }
0xa8: {  	_ =	swait.ge [sflag:s23], $0x1  }
0xa9: {  	[sflag:s23] =	ssyncset.done $0x0  }
0xaa: {  	s25 =	simm.s32 $0x1B8E;
	s24 =	sld [smem:$0x3FFE];
	[sflag:s23] =	ssyncadd.s32 $0xFFFFFFFF  }
0xab: {  	s26 =	simm.s32 $execute0_lowered;
	[smem:$0x3FD2] =	sst s25  }
0xac: {  	s6 =	sshll.u32 s26, $0x1;
	_ =	strace $0x80000049;
	[dreg:$0x1] =	wrdreg $0xFFFFFFFF  }
0xad: {  	s28 =	simm.s32 $_size_execute0_lowered;
	s4 =	sadd.s32 s4, s6;
	[dreg:$0x0] =	wrdreg $0x0  }
0xae: {  	s6 =	sshll.u32 s28, $0x1;
	[dreg:$0x2] =	wrdreg s4  }
0xaf: {  	[dreg:$0x3] =	wrdreg s6  }
0xb0: {  	[dreg:$0x4] =	wrdreg $0xC0  }
0xb1: {  	_ =	task [dreg:s8], $0x5FFFF  }
0xb2: {  	[dreg:$0x1] =	wrdreg $0xFFFFFFFF  }
0xb3: {  	[dreg:$0x0] =	wrdreg $0x60  }
0xb4: {  	[dreg:$0x2] =	wrdreg s24  }
0xb5: {  	[dreg:$0x3] =	wrdreg s16  }
0xb6: {  	[dreg:$0x4] =	wrdreg s17  }
0xb7: {  	[dreg:$0x5] =	wrdreg $0x90000  }
0xb8: {  	[dreg:$0x6] =	wrdreg $0x9  }
0xb9: {  	_ =	task.clear_ibuf [dreg:s8], $0x7FFFF;
	_ =	strace $0x90000049  }
0xba: {  	s29 =	simm.s32 $0x9;
	_ =	strace $0x8000004B  }
0xbb: {  	_ =	swait.ge [sflag:s29], $0x1  }
0xbc: {  	[sflag:s29] =	ssyncadd.s32 $0xFFFFFFFF  }
0xbd: {  	_ =	strace $0x9000004B  }
0xbe: {  	_ =	sfence  }
0xbf: {  	s30 =	sld [smem:$0x0];
	_ =	sdelay $0x2  }
0xc0: {  	s31 =	sshll.u32 s1, $0xD;
	s1 =	sshrl.u32 s1, $0x2  }
0xc1: {  	s3 =	sand.u32 $0x4000, s31;
	s1 =	sadd.s32 s1, s30  }
0xc2: {  	s0 =	sor.u32 s3, s0;
	s1 =	sshll.u32 s1, $0x11  }
0xc3: {  	s0 =	sor.u32 s1, s0  }
0xc4: {  	s0 =	sadd.s32 $0x8F2B, s0  }
0xc5: {  	[sflag:s0] =	ssyncadd.remote.s32 $0x1  }
0xc6: {  	_ =	sfence.sel $0xFFFF  }
0xc7: {  	[dreg:$0x0] =	wrdreg $0xFFFFFFFF;
	(pc) =	sbr.abs _section_cstart, $3  }
0xc8: {  	[dreg:$0x1] =	wrdreg $0xFFFFFFFF  }
0xc9: {  	_ =	task.clear_ibuf [dreg:s8], $0x2FFFF;
	_ =	strace $0x9FFFFFFF  }
0xca: {  	(tm) =	ssettm $0x7FFFFFFF  }
0xcb: {  	_ =	shalt  }
tec
execute0_lowered:
.L_overlay_start_1:
0x0: {  	(tag) =	ssettag $0x1  }
0x1: {  	s4 =	rddreg [dreg:$0x0]  }
0x2: {  	s6 =	rddreg [dreg:$0x1]  }
0x3: {  	s9 =	rddreg [dreg:$0x2]  }
0x4: {  	s1 =	rddreg [dreg:$0x3];
	s2 =	srdreg.scid  }
0x5: {  	s0 =	rddreg [dreg:$0x4];
	s12 =	stileid.u32  }
0x6: {  	s17 =	simm.s32 $0x5000;
	s18 =	simm.s32 $0x1;
	s8 =	smul.u32 $0x2800, s12  }
0x7: {  	s19 =	simm.s32 $0x0;
	s5 =	sand.u32 $0x1, s2;
	s23 =	smul.u32 $0x4E000, s12  }
0x8: {  	s2 =	simm.s32 $0x0;
	s3 =	sadd.s32 $0x15800, s4;
	s11 =	smul.u32 $0x13800, s12  }
0x9: {  	s28 =	sshll.u32 s12, $0x6;
	s16 =	sadd.s32 $0x138000, s1;
	s7 =	smul.u32 $0x28000, s5  }
0xa: {  	p0 =	sne.s32 s12, $0x0;
	[smem:$0x7FF] =	sst s2;
	s29 =	smul.u32 $0x138800, s5  }
0xb: {  	s10 =	ssub.s32 $0x2, s5;
	s5 =	sor.u32 $0x1C02, s28;
	_ =	strace $0x8000004A  }
0xc: {  	s24 =	sshrl.u32 s10, $0x1;
	s25 =	sshrl.u32 s23, $0x2;
	s26 =	sshrl.u32 s11, $0x3  }
0xd: {  	s7 =	sadd.s32 s8, s7;
	s14 =	ssub.s32 s10, s24;
	s15 =	sadd.s32 s25, s1  }
0xe: {  	s30 =	sadd.s32 s11, s29;
	s31 =	sshrl.u32 s29, $0x3;
	s7 =	sshrl.u32 s7, $0x3  }
0xf: {  	s10 =	sshrl.u32 s30, $0x3;
	s11 =	sadd.s32 s9, s31;
	s12 =	sshrl.u32 s15, $0x3  }
0x10: {  	s15 =	simm.s32 $0x2800;
	s13 =	sadd.s32 s7, s4;
	s4 =	sadd.s32 s6, s26  }
0x11: {  	s6 =	sadd.s32 $0x27000, s6;
	s9 =	sadd.s32 s9, s10;
	s10 =	sadd.s32 $0x27000, s11  }
0x12: {  	s11 =	smax.u32 s14, $0x1;
	s14 =	sshrl.u32 @!p0 s16, $0x3;
	s16 =	simm.s32 $0x80  }
0x13: {  	s7 =	sadd.s32 $0x1800, s13;
	s8 =	sadd.s32 $0xB800, s13;
	s13 =	simm.s32 $0x2  }
.LBB2_1:
0x14: {  	[spmem:s12], [sflag:s5] =	dma.local [hbm:s4], $0x2700  }
0x15: {  	_ =	swait.ge [sflag:s13], $0x2700  }
0x16: {  	[sflag:s13] =	ssyncset.done $0x0  }
0x17: {  	s20 =	simm.s32 @!p0 $0x2;
	[sflag:s13] =	ssyncadd.s32 $0xFFFFD900  }
0x18: {  	[spmem:s14], [sflag:s5] =	dma.local @!p0 [hbm:s6], $0x180  }
0x19: {  	_ =	swait.ge @!p0 [sflag:s20], $0x180  }
0x1a: {  	[sflag:s20] =	ssyncset.done @!p0 $0x0  }
0x1b: {  	[sflag:s20] =	ssyncadd.s32 @!p0 $0xFFFFFE80  }
0x1c: {  	[tilespmem:s2], [sflag:$0x2] =	stream.linear.gather [hbm4b:s7+s2], $0x2780, $0x38;
	[tilespmem:$0x1C8C0] =	vst v63  }
0x1d: {  	_ =	swait.ge [sflag:s13], $0x2780  }
0x1e: {  	[sflag:s13] =	ssyncset.done $0x0  }
0x1f: {  	[sflag:s13] =	ssyncadd.s32 $0xFFFFD880  }
0x20: {  	[bflag:$0x0] =	sbarrier.arrive $0xFFFF  }
0x21: {  	[tilespmem:s15], [sflag:$0x2] =	stream.linear.gather [hbm4b:s8+s2], $0x2780, $0x38;
	[tilespmem:$0x1C8C0] =	vst v63  }
0x22: {  	_ =	swait.ge [sflag:s13], $0x2780  }
0x23: {  	[sflag:s13] =	ssyncset.done $0x0  }
0x24: {  	s30 =	simm.s32 $0x0;
	[sflag:s13] =	ssyncadd.s32 $0xFFFFD880  }
0x25: {  	[tilespmem:s17], [sflag:$0x1] =	stream.indirect.gather [hbm4b:s3+s16], $0x80, s30, s16, $0xb8;
	[tilespmem:$0x1C8C0] =	vst v63  }
0x26: {  	_ =	swait.ge [sflag:s18], $0x4000  }
0x27: {  	[sflag:s18] =	ssyncset.done $0x0  }
0x28: {  	s31 =	simm.s32 $0x2800;
	[sflag:s18] =	ssyncadd.s32 $0xFFFFC000  }
0x29: {  	[spmem:s1] =	stream.indirect.scatter.add.f32 [tilespmem:s17], [sflag:$0x2], $0x80, s31, s16, $0xb8;
	[tilespmem:$0x1C8C0] =	vst v63  }
0x2a: {  	_ =	swait.ge [sflag:s13], $0x4000  }
0x2b: {  	s21 =	simm.s32 $0x400;
	s20 =	simm.s32 $0x200;
	[sflag:s13] =	ssyncset.done $0x0  }
.LBB2_2:
0x2c: {  	s22 =	sshra.s32 s20, $0x2  }
0x2d: {  	[sflag:s13] =	ssyncadd.s32 $0xFFFFC000;
	s20 =	smov.u32 s21;
	s23 =	sadd.s32 $0x200, s21  }
0x2e: {  	[tilespmem:s17], [sflag:$0x1] =	stream.indirect.gather [hbm4b:s3+s16], $0x80, s22, s16, $0xb8;
	[tilespmem:$0x1C8C0] =	vst v63  }
0x2f: {  	p1 =	sne.s32 s21, $0x9C00;
	_ =	swait.ge [sflag:s18], $0x4000  }
.Ltmp0:
0x30: {  	[sflag:s18] =	ssyncset.done $0x0;
	(pc) =	sbr.rel @p1 .LBB2_2-.Ltmp0, $4  }
0x31: {  	s21 =	sadd.s32 $0x2800, s22;
	[sflag:s18] =	ssyncadd.s32 $0xFFFFC000  }
0x32: {  	[spmem:s1] =	stream.indirect.scatter.add.f32 [tilespmem:s17], [sflag:$0x2], $0x80, s21, s16, $0xb8;
	[tilespmem:$0x1C8C0] =	vst v63  }
0x33: {  	_ =	swait.ge [sflag:s13], $0x4000  }
0x34: {  	s21 =	smov.u32 s23;
	[sflag:s13] =	ssyncset.done $0x0  }
0x35: {  	s20 =	sshra.s32 s20, $0x2;
	[sflag:s13] =	ssyncadd.s32 $0xFFFFC000  }
0x36: {  	[tilespmem:s17], [sflag:$0x1] =	stream.indirect.gather [hbm4b:s3+s16], $0x80, s20, s16, $0xb8;
	[tilespmem:$0x1C8C0] =	vst v63  }
0x37: {  	_ =	swait.ge [sflag:s18], $0x4000  }
0x38: {  	[sflag:s18] =	ssyncset.done $0x0  }
0x39: {  	s20 =	sadd.s32 $0x2800, s20;
	[sflag:s18] =	ssyncadd.s32 $0xFFFFC000  }
0x3a: {  	[spmem:s1] =	stream.indirect.scatter.add.f32 [tilespmem:s17], [sflag:$0x2], $0x80, s20, s16, $0xb8;
	[tilespmem:$0x1C8C0] =	vst v63  }
0x3b: {  	_ =	swait.ge [sflag:s13], $0x4000  }
0x3c: {  	[sflag:s13] =	ssyncset.done $0x0  }
0x3d: {  	[sflag:s13] =	ssyncadd.s32 $0xFFFFC000  }
0x3e: {  	[bflag:$0x0] =	sbarrier.arrive $0xFFFF  }
0x3f: {  	[hbm:s9], [sflag:s5] =	dma.local [spmem:s12], $0x2700  }
0x40: {  	s19 =	sadd.s32 $0x1, s19;
	_ =	swait.ge [sflag:s13], $0x2700  }
0x41: {  	p1 =	sne.s32 s19, s11;
	[sflag:s13] =	ssyncset.done $0x0  }
.Ltmp1:
0x42: {  	s20 =	simm.s32 @!p0 $0x2;
	[sflag:s13] =	ssyncadd.s32 $0xFFFFD900;
	(pc) =	sbr.rel @p1 .LBB2_1-.Ltmp1, $4  }
0x43: {  	[hbm:s10], [sflag:s5] =	dma.local @!p0 [spmem:s14], $0x100  }
0x44: {  	_ =	swait.ge @!p0 [sflag:s20], $0x100  }
0x45: {  	[sflag:s20] =	ssyncset.done @!p0 $0x0  }
0x46: {  	[sflag:s20] =	ssyncadd.s32 @!p0 $0xFFFFFF00  }
0x47: {  	_ =	sfence.sel $0x180000  }
0x48: {  	[bflag:$0x0] =	sbarrier.arrive $0xFFFF  }
0x49: {  	_ =	strace $0x9000004A  }
0x4a: {  	s0 =	sadd.s32 @!p0 $0x100000, s0;
	[bflag:$0x2] =	sbarrier.arrive $0xFFFF  }
0x4b: {  	[sflag:s0] =	ssyncadd.tile.s32 @!p0 $0x1;
	_ =	shalt  }
.Lfunc_end2:
_tile_overlayer_lowered:
.L_overlay_start_2:
0x4c: {  	(tag) =	ssettag $0x2  }
0x4d: {  	s0 =	rddreg [dreg:$0x0];
	s2 =	stileid.u32  }
0x4e: {  	s1 =	rddreg [dreg:$0x1];
	p0 =	sne.s32 s2, $0x0  }
0x4f: {  	s3 =	rddreg [dreg:$0x2];
	[bflag:$0x3] =	sbarrier.arrive $0xFFFF;
	s2 =	simm.s32 @!p0 $0x1C02  }
0x50: {  	[timem:s3], [sflag:s2] =	dma.local @!p0 [hbm:s0], s1  }
0x51: {  	s0 =	simm.s32 @!p0 $0x2  }
0x52: {  	_ =	swait.ge @!p0 [sflag:s0], s1  }
0x53: {  	s1 =	ssub.s32 @!p0 $0x0, s1;
	[sflag:s0] =	ssyncset.done @!p0 $0x0  }
0x54: {  	[sflag:s0] =	ssyncadd.s32 @!p0 s1  }
0x55: {  	[bflag:$0x3] =	sbarrier.arrive $0xFFFF  }
0x56: {  	_ =	shalt  }

</sc_bundles>
